<compile_context>
chip_gen: v7x
topology: tpu7x:2x2x1
jax: 0.10.2.dev20260603
libtpu: 0.0.44.dev20260713+nightly
codegen_flags: <defaults>
</compile_context>

<pallas_src>
import functools

import jax
import jax.numpy as jnp
from jax import lax
from jax.experimental import pallas as pl
from jax.experimental.pallas import tpu as pltpu
from jax.experimental.pallas import tpu_sc as plsc

MASK_PROB_C = 0.15
MASK_ID_C = 4
B_C, L_C = 1024, 2048
ROWS_SC = 512
ROWS_TC = B_C - ROWS_SC
NUM_CORES = 2
NUM_SUBCORES = 16
NUM_WORKERS = NUM_CORES * NUM_SUBCORES
ROWS_PER_WORKER = ROWS_SC // NUM_WORKERS
LANES = 16
CHUNKS = L_C // LANES
G = 4
NG = ROWS_PER_WORKER // G
RB_TC = 8
TAIL_W = float(L_C) + 3.0 + 1.0
NEG_SENT = -1e30
POS_SENT = 1e30
WPAD = L_C + 32


def _body(x_hbm, um_hbm, us_hbm, out_hbm,
          xa, uma, usa, oa, xb, umb, usb, ob, w_v,
          ina_sem, inb_sem, outa_sem, outb_sem):
    wid = lax.axis_index("s") * NUM_CORES + lax.axis_index("c")
    row0 = wid * ROWS_PER_WORKER
    lane = lax.broadcasted_iota(jnp.int32, (LANES,), 0)

    bufs = ((xa, uma, usa, oa, ina_sem, outa_sem),
            (xb, umb, usb, ob, inb_sem, outb_sem))

    def in_copies(g, bufset):
        bx, bum, bus, _, isem, _ = bufset
        rows = pl.ds(row0 + g * G, G)
        return (pltpu.make_async_copy(x_hbm.at[rows], bx, isem),
                pltpu.make_async_copy(um_hbm.at[rows], bum, isem),
                pltpu.make_async_copy(us_hbm.at[rows], bus, isem))

    def out_copy(g, bufset):
        bo, osem = bufset[3], bufset[5]
        rows = pl.ds(row0 + g * G, G)
        return pltpu.make_async_copy(bo, out_hbm.at[rows], osem)

    def do_group(bufset):
        bx, bum, bus, bo = bufset[:4]

        def do_row(j, _):
            w_v[pl.ds(0, LANES)] = jnp.full((LANES,), NEG_SENT, jnp.float32)
            w_v[pl.ds(L_C + 2, LANES)] = jnp.full((LANES,), POS_SENT, jnp.float32)

            @plsc.parallel_loop(0, CHUNKS, unroll=4)
            def pass1(i):
                b = i * LANES
                xv = bx[j, pl.ds(b, LANES)]
                us = bus[j, pl.ds(b, LANES)]
                idx = lane + b
                w = idx.astype(jnp.float32) + us * 3.0
                w = jnp.where(xv < 3, TAIL_W, w)
                w = jnp.where(idx == 0, -1.0, w)
                w_v[pl.ds(b + 2, LANES)] = w

            @plsc.parallel_loop(0, CHUNKS, unroll=4)
            def pass2(i):
                b = i * LANES
                w = w_v[pl.ds(b + 2, LANES)]
                wm2 = w_v[pl.ds(b, LANES)]
                wm1 = w_v[pl.ds(b + 1, LANES)]
                wp1 = w_v[pl.ds(b + 3, LANES)]
                wp2 = w_v[pl.ds(b + 4, LANES)]
                d = (
                    jnp.where(wp1 < w, 1, 0)
                    + jnp.where(wp2 < w, 1, 0)
                    - jnp.where(wm1 > w, 1, 0)
                    - jnp.where(wm2 > w, 1, 0)
                )
                xv = bx[j, pl.ds(b, LANES)]
                um = bum[j, pl.ds(b, LANES)]
                xm = jnp.where(um < MASK_PROB_C,
                               jnp.where(xv < 3, xv, MASK_ID_C), xv)
                row_idx = jnp.full((LANES,), j, jnp.int32)
                plsc.store_scatter(bo, [row_idx, lane + (b + d)], xm)

            return _

        lax.fori_loop(0, G, do_row, None)

    for c in in_copies(0, bufs[0]):
        c.start()
    for c in in_copies(1, bufs[1]):
        c.start()

    def pair(p, _):
        for parity in (0, 1):
            g = 2 * p + parity
            bufset = bufs[parity]
            for c in in_copies(g, bufset):
                c.wait()

            @pl.when(p > 0)
            def _wait_out():
                out_copy(g - 2, bufset).wait()

            do_group(bufset)
            out_copy(g, bufset).start()

            @pl.when(p < NG // 2 - 1)
            def _prefetch():
                for c in in_copies(g + 2, bufset):
                    c.start()

        return _

    lax.fori_loop(0, NG // 2, pair, None)

    out_copy(NG - 2, bufs[0]).wait()
    out_copy(NG - 1, bufs[1]).wait()


def _tc_body(x_r, um_r, us_r, o_r):
    col = lax.broadcasted_iota(jnp.int32, (RB_TC, L_C), 1)
    x = x_r[...]
    um = um_r[...]
    us = us_r[...]
    pinned = x < 3
    w = col.astype(jnp.float32) + us * 3.0
    w = jnp.where(pinned, TAIL_W, w)
    w = jnp.where(col == 0, -1.0, w)

    def shift(a, s, fill):
        if s == 0:
            return a
        pad = jnp.full((RB_TC, abs(s)), fill, a.dtype)
        if s > 0:
            return jnp.concatenate([pad, a[:, :-s]], axis=1)
        return jnp.concatenate([a[:, -s:], pad], axis=1)

    d = (
        (shift(w, -1, POS_SENT) < w).astype(jnp.int32)
        + (shift(w, -2, POS_SENT) < w).astype(jnp.int32)
        - (shift(w, 1, NEG_SENT) > w).astype(jnp.int32)
        - (shift(w, 2, NEG_SENT) > w).astype(jnp.int32)
    )
    xm = jnp.where((um < MASK_PROB_C) & jnp.logical_not(pinned), MASK_ID_C, x)
    out = jnp.zeros((RB_TC, L_C), jnp.int32)
    for s in (-2, -1, 0, 1, 2):
        out = out + jnp.where(shift(d, s, 99) == s, shift(xm, s, 0), 0)
    o_r[...] = out


def _tc_run(x, u_mask, u_shuffle):
    nblk = ROWS_TC // RB_TC
    off = ROWS_SC // RB_TC
    in_spec = pl.BlockSpec((RB_TC, L_C), lambda i: (off + i, 0))
    return pl.pallas_call(
        _tc_body,
        grid=(nblk,),
        in_specs=[in_spec, in_spec, in_spec],
        out_specs=pl.BlockSpec((RB_TC, L_C), lambda i: (i, 0)),
        out_shape=jax.ShapeDtypeStruct((ROWS_TC, L_C), jnp.int32),
    )(x, u_mask, u_shuffle)


@jax.jit
def kernel(x, x_len, pad_sos_eos_mask, u_mask, u_shuffle):
    del x_len, pad_sos_eos_mask
    run = functools.partial(
        pl.kernel,
        out_type=jax.ShapeDtypeStruct((ROWS_SC, L_C), jnp.int32),
        mesh=plsc.VectorSubcoreMesh(core_axis_name="c", subcore_axis_name="s"),
        compiler_params=pltpu.CompilerParams(needs_layout_passes=False),
        scratch_types=[
            pltpu.VMEM((G, L_C), jnp.int32),
            pltpu.VMEM((G, L_C), jnp.float32),
            pltpu.VMEM((G, L_C), jnp.float32),
            pltpu.VMEM((G, L_C), jnp.int32),
            pltpu.VMEM((G, L_C), jnp.int32),
            pltpu.VMEM((G, L_C), jnp.float32),
            pltpu.VMEM((G, L_C), jnp.float32),
            pltpu.VMEM((G, L_C), jnp.int32),
            pltpu.VMEM((WPAD,), jnp.float32),
            pltpu.SemaphoreType.DMA,
            pltpu.SemaphoreType.DMA,
            pltpu.SemaphoreType.DMA,
            pltpu.SemaphoreType.DMA,
        ],
    )(_body)
    sc_out = run(x, u_mask, u_shuffle)
    tc_out = _tc_run(x, u_mask, u_shuffle)
    return jnp.concatenate([sc_out, tc_out], axis=0)

# --- scband reference (transcript-rebuilt; emitter-appended) ---
"""Pipeline reference for scband-noise-25735444037871 (READ-ONLY COPY).

The authoritative reference and input builder live on the scoring server;
editing this copy changes nothing except your own understanding.
"""

import jax, jax.numpy as jnp
import numpy as np

MASK_PROB = 0.15
DROP_PROB = 0.0
SHUFFLE_WEIGHT = 3.0
PAD_ID = 0
SOS_ID = 1
EOS_ID = 2
MASK_ID = 4
B, L = 1024, 2048
VOCAB = 32000


def setup_inputs(seed: int = 0) -> dict:
    key = jax.random.key(seed)
    k1, k2, k3, k4 = jax.random.split(key, 4)
    x = jax.random.randint(k1, (B, L), 5, VOCAB)
    x_len = jax.random.randint(k2, (B,), L // 2, L + 1)
    pos = jnp.arange(L)[None, :]
    x = jnp.where(pos >= x_len[:, None], PAD_ID, x)
    x = x.at[:, 0].set(SOS_ID)
    x = x.at[jnp.arange(B), x_len - 1].set(EOS_ID)
    pad_sos_eos_mask = (x == PAD_ID) | (x == SOS_ID) | (x == EOS_ID)
    u_mask = jax.random.uniform(k3, (B, L), dtype=jnp.float32)
    u_shuffle = jax.random.uniform(k4, (B, L), dtype=jnp.float32)
    return {"x": x, "x_len": x_len, "pad_sos_eos_mask": pad_sos_eos_mask, "u_mask": u_mask, "u_shuffle": u_shuffle}


def reference(x, x_len, pad_sos_eos_mask, u_mask, u_shuffle):
    # mask(): replace non-(pad/sos/eos) tokens with MASK_ID w.p. MASK_PROB (in-place op in torch)
    mask_mask = (u_mask < MASK_PROB) & jnp.logical_not(pad_sos_eos_mask)
    x_masked = jnp.where(mask_mask, MASK_ID, x)
    # drop(): drop_prob == 0.0 -> identity (returns inputs unchanged)
    # shuffle(): positional weights + uniform(0, SHUFFLE_WEIGHT) noise, pad/sos/eos pinned to end,
    # position 0 (sos) pinned to front, then argsort + gather along the sequence axis.
    weights = jnp.arange(L, dtype=jnp.float32)[None, :] + u_shuffle * SHUFFLE_WEIGHT
    weights = jnp.broadcast_to(weights, (B, L))
    weights = jnp.where(pad_sos_eos_mask, float(L) + SHUFFLE_WEIGHT + 1.0, weights)
    weights = weights.at[:, 0].set(-1.0)
    permutation = jnp.argsort(weights, axis=1)
    new_x = jnp.take_along_axis(x_masked, permutation, axis=1)
    return new_x

if __name__ == "__main__":
    import jax
    _d = setup_inputs()
    print(jax.jit(kernel)(*tuple(_d.values())))

</pallas_src>

<mosaic_0001>
#map = affine_map<(d0, d1) -> (0, 0)>
module attributes {stable_mosaic.version = 14 : i64} {
  func.func @_body(%arg0: i32, %arg1: i32, %arg2: memref<1024x2048xi32, #tpu.memory_space<hbm>>, %arg3: memref<1024x2048xf32, #tpu.memory_space<hbm>>, %arg4: memref<1024x2048xf32, #tpu.memory_space<hbm>>, %arg5: memref<512x2048xi32, #tpu.memory_space<hbm>>, %arg6: memref<4x2048xi32, #tpu.memory_space<vmem>>, %arg7: memref<4x2048xf32, #tpu.memory_space<vmem>>, %arg8: memref<4x2048xf32, #tpu.memory_space<vmem>>, %arg9: memref<4x2048xi32, #tpu.memory_space<vmem>>, %arg10: memref<4x2048xi32, #tpu.memory_space<vmem>>, %arg11: memref<4x2048xf32, #tpu.memory_space<vmem>>, %arg12: memref<4x2048xf32, #tpu.memory_space<vmem>>, %arg13: memref<4x2048xi32, #tpu.memory_space<vmem>>, %arg14: memref<2080xf32, #tpu.memory_space<vmem>>, %arg15: memref<!tpu.dma_semaphore, #tpu.memory_space<semaphore_mem>>, %arg16: memref<!tpu.dma_semaphore, #tpu.memory_space<semaphore_mem>>, %arg17: memref<!tpu.dma_semaphore, #tpu.memory_space<semaphore_mem>>, %arg18: memref<!tpu.dma_semaphore, #tpu.memory_space<semaphore_mem>>) attributes {dimension_semantics = [#tpu.dimension_semantics<core_parallel>, #tpu.dimension_semantics<subcore_parallel>], iteration_bounds = array<i64: 2, 16>, scalar_prefetch = 0 : i64, scratch_operands = 13 : i64, tpu.core_type = #tpu.core_type<sc_vector_subcore>, window_params = [{transform_indices = #map}, {transform_indices = #map}, {transform_indices = #map}, {transform_indices = #map}]} {
    %mul3A = arith.constant 2 : i32
    %mul3A_0 = arith.muli %arg1, %mul3A : i32
    %add3A = arith.addi %mul3A_0, %arg0 : i32
    %mul3A_1 = arith.constant 16 : i32
    %mul3A_2 = arith.muli %add3A, %mul3A_1 : i32
    %iota3A = tpu.iota {dimensions = array<i32: 0>} : vector<16xi32>
    %add3A_3 = arith.constant 0 : i32
    %add3A_4 = arith.addi %mul3A_2, %add3A_3 : i32
    %dma_start3A = arith.constant 0 : i32
    %dma_start3A_5 = tpu.memref_slice %arg2[%add3A_4, %dma_start3A] : memref<1024x2048xi32, #tpu.memory_space<hbm>> -> memref<4x2048xi32, #tpu.memory_space<hbm>>
    %dma_start3A_6 = arith.constant 0 : i32
    %dma_start3A_7 = tpu.memref_slice %arg2[%add3A_4, %dma_start3A_6] : memref<1024x2048xi32, #tpu.memory_space<hbm>> -> memref<4x2048xi32, #tpu.memory_space<hbm>>
    tpu.enqueue_dma source(%dma_start3A_7 : memref<4x2048xi32, #tpu.memory_space<hbm>>) target(%arg6 : memref<4x2048xi32, #tpu.memory_space<vmem>>) target_semaphore(%arg15 : memref<!tpu.dma_semaphore, #tpu.memory_space<semaphore_mem>>)
    %dma_start3A_8 = arith.constant 0 : i32
    %dma_start3A_9 = tpu.memref_slice %arg3[%add3A_4, %dma_start3A_8] : memref<1024x2048xf32, #tpu.memory_space<hbm>> -> memref<4x2048xf32, #tpu.memory_space<hbm>>
    %dma_start3A_10 = arith.constant 0 : i32
    %dma_start3A_11 = tpu.memref_slice %arg3[%add3A_4, %dma_start3A_10] : memref<1024x2048xf32, #tpu.memory_space<hbm>> -> memref<4x2048xf32, #tpu.memory_space<hbm>>
    tpu.enqueue_dma source(%dma_start3A_11 : memref<4x2048xf32, #tpu.memory_space<hbm>>) target(%arg7 : memref<4x2048xf32, #tpu.memory_space<vmem>>) target_semaphore(%arg15 : memref<!tpu.dma_semaphore, #tpu.memory_space<semaphore_mem>>)
    %dma_start3A_12 = arith.constant 0 : i32
    %dma_start3A_13 = tpu.memref_slice %arg4[%add3A_4, %dma_start3A_12] : memref<1024x2048xf32, #tpu.memory_space<hbm>> -> memref<4x2048xf32, #tpu.memory_space<hbm>>
    %dma_start3A_14 = arith.constant 0 : i32
    %dma_start3A_15 = tpu.memref_slice %arg4[%add3A_4, %dma_start3A_14] : memref<1024x2048xf32, #tpu.memory_space<hbm>> -> memref<4x2048xf32, #tpu.memory_space<hbm>>
    tpu.enqueue_dma source(%dma_start3A_15 : memref<4x2048xf32, #tpu.memory_space<hbm>>) target(%arg8 : memref<4x2048xf32, #tpu.memory_space<vmem>>) target_semaphore(%arg15 : memref<!tpu.dma_semaphore, #tpu.memory_space<semaphore_mem>>)
    %add3A_16 = arith.constant 4 : i32
    %add3A_17 = arith.addi %mul3A_2, %add3A_16 : i32
    %dma_start3A_18 = arith.constant 0 : i32
    %dma_start3A_19 = tpu.memref_slice %arg2[%add3A_17, %dma_start3A_18] : memref<1024x2048xi32, #tpu.memory_space<hbm>> -> memref<4x2048xi32, #tpu.memory_space<hbm>>
    %dma_start3A_20 = arith.constant 0 : i32
    %dma_start3A_21 = tpu.memref_slice %arg2[%add3A_17, %dma_start3A_20] : memref<1024x2048xi32, #tpu.memory_space<hbm>> -> memref<4x2048xi32, #tpu.memory_space<hbm>>
    tpu.enqueue_dma source(%dma_start3A_21 : memref<4x2048xi32, #tpu.memory_space<hbm>>) target(%arg10 : memref<4x2048xi32, #tpu.memory_space<vmem>>) target_semaphore(%arg16 : memref<!tpu.dma_semaphore, #tpu.memory_space<semaphore_mem>>)
    %dma_start3A_22 = arith.constant 0 : i32
    %dma_start3A_23 = tpu.memref_slice %arg3[%add3A_17, %dma_start3A_22] : memref<1024x2048xf32, #tpu.memory_space<hbm>> -> memref<4x2048xf32, #tpu.memory_space<hbm>>
    %dma_start3A_24 = arith.constant 0 : i32
    %dma_start3A_25 = tpu.memref_slice %arg3[%add3A_17, %dma_start3A_24] : memref<1024x2048xf32, #tpu.memory_space<hbm>> -> memref<4x2048xf32, #tpu.memory_space<hbm>>
    tpu.enqueue_dma source(%dma_start3A_25 : memref<4x2048xf32, #tpu.memory_space<hbm>>) target(%arg11 : memref<4x2048xf32, #tpu.memory_space<vmem>>) target_semaphore(%arg16 : memref<!tpu.dma_semaphore, #tpu.memory_space<semaphore_mem>>)
    %dma_start3A_26 = arith.constant 0 : i32
    %dma_start3A_27 = tpu.memref_slice %arg4[%add3A_17, %dma_start3A_26] : memref<1024x2048xf32, #tpu.memory_space<hbm>> -> memref<4x2048xf32, #tpu.memory_space<hbm>>
    %dma_start3A_28 = arith.constant 0 : i32
    %dma_start3A_29 = tpu.memref_slice %arg4[%add3A_17, %dma_start3A_28] : memref<1024x2048xf32, #tpu.memory_space<hbm>> -> memref<4x2048xf32, #tpu.memory_space<hbm>>
    tpu.enqueue_dma source(%dma_start3A_29 : memref<4x2048xf32, #tpu.memory_space<hbm>>) target(%arg12 : memref<4x2048xf32, #tpu.memory_space<vmem>>) target_semaphore(%arg16 : memref<!tpu.dma_semaphore, #tpu.memory_space<semaphore_mem>>)
    %scan3A = arith.constant 0 : i32
    %scan3A_30 = arith.constant 2 : i32
    %scan3A_31 = arith.addi %scan3A, %scan3A_30 : i32
    %scan3A_32 = arith.constant 1 : i32
    scf.for %scan3A_45 = %scan3A to %scan3A_31 step %scan3A_32  : i32 {
      %mul3A_46 = arith.constant 2 : i32
      %mul3A_47 = arith.muli %mul3A_46, %scan3A_45 : i32
      %add3A_48 = arith.constant 0 : i32
      %add3A_49 = arith.addi %mul3A_47, %add3A_48 : i32
      %mul3A_50 = arith.constant 4 : i32
      %mul3A_51 = arith.muli %add3A_49, %mul3A_50 : i32
      %add3A_52 = arith.addi %mul3A_2, %mul3A_51 : i32
      %dma_wait3A_53 = arith.constant 0 : i32
      %dma_wait3A_54 = tpu.memref_slice %arg2[%add3A_52, %dma_wait3A_53] : memref<1024x2048xi32, #tpu.memory_space<hbm>> -> memref<4x2048xi32, #tpu.memory_space<hbm>>
      %dma_wait3A_55 = arith.constant 0 : i32
      %dma_wait3A_56 = tpu.memref_slice %arg2[%add3A_52, %dma_wait3A_55] : memref<1024x2048xi32, #tpu.memory_space<hbm>> -> memref<4x2048xi32, #tpu.memory_space<hbm>>
      tpu.wait_dma2 semaphore(%arg15 : memref<!tpu.dma_semaphore, #tpu.memory_space<semaphore_mem>>) src(%dma_wait3A_56 : memref<4x2048xi32, #tpu.memory_space<hbm>>) dst(%arg6 : memref<4x2048xi32, #tpu.memory_space<vmem>>)
      %dma_wait3A_57 = arith.constant 0 : i32
      %dma_wait3A_58 = tpu.memref_slice %arg3[%add3A_52, %dma_wait3A_57] : memref<1024x2048xf32, #tpu.memory_space<hbm>> -> memref<4x2048xf32, #tpu.memory_space<hbm>>
      %dma_wait3A_59 = arith.constant 0 : i32
      %dma_wait3A_60 = tpu.memref_slice %arg3[%add3A_52, %dma_wait3A_59] : memref<1024x2048xf32, #tpu.memory_space<hbm>> -> memref<4x2048xf32, #tpu.memory_space<hbm>>
      tpu.wait_dma2 semaphore(%arg15 : memref<!tpu.dma_semaphore, #tpu.memory_space<semaphore_mem>>) src(%dma_wait3A_60 : memref<4x2048xf32, #tpu.memory_space<hbm>>) dst(%arg7 : memref<4x2048xf32, #tpu.memory_space<vmem>>)
      %dma_wait3A_61 = arith.constant 0 : i32
      %dma_wait3A_62 = tpu.memref_slice %arg4[%add3A_52, %dma_wait3A_61] : memref<1024x2048xf32, #tpu.memory_space<hbm>> -> memref<4x2048xf32, #tpu.memory_space<hbm>>
      %dma_wait3A_63 = arith.constant 0 : i32
      %dma_wait3A_64 = tpu.memref_slice %arg4[%add3A_52, %dma_wait3A_63] : memref<1024x2048xf32, #tpu.memory_space<hbm>> -> memref<4x2048xf32, #tpu.memory_space<hbm>>
      tpu.wait_dma2 semaphore(%arg15 : memref<!tpu.dma_semaphore, #tpu.memory_space<semaphore_mem>>) src(%dma_wait3A_64 : memref<4x2048xf32, #tpu.memory_space<hbm>>) dst(%arg8 : memref<4x2048xf32, #tpu.memory_space<vmem>>)
      %gt3A = arith.constant 0 : i32
      %gt3A_65 = arith.cmpi sgt, %scan3A_45, %gt3A : i32
      %convert_element_type3A = arith.extui %gt3A_65 : i1 to i32
      %cond3A = arith.constant 0 : i32
      %cond3A_66 = arith.cmpi ne, %convert_element_type3A, %cond3A : i32
      scf.if %cond3A_66 {
        %sub3A = arith.constant 2 : i32
        %sub3A_124 = arith.subi %add3A_49, %sub3A : i32
        %mul3A_125 = arith.constant 4 : i32
        %mul3A_126 = arith.muli %sub3A_124, %mul3A_125 : i32
        %add3A_127 = arith.addi %mul3A_2, %mul3A_126 : i32
        %dma_wait3A_128 = arith.constant 0 : i32
        %dma_wait3A_129 = tpu.memref_slice %arg5[%add3A_127, %dma_wait3A_128] : memref<512x2048xi32, #tpu.memory_space<hbm>> -> memref<4x2048xi32, #tpu.memory_space<hbm>>
        %dma_wait3A_130 = arith.constant 0 : i32
        %dma_wait3A_131 = tpu.memref_slice %arg5[%add3A_127, %dma_wait3A_130] : memref<512x2048xi32, #tpu.memory_space<hbm>> -> memref<4x2048xi32, #tpu.memory_space<hbm>>
        tpu.wait_dma2 semaphore(%arg17 : memref<!tpu.dma_semaphore, #tpu.memory_space<semaphore_mem>>) src(%arg9 : memref<4x2048xi32, #tpu.memory_space<vmem>>) dst(%dma_wait3A_131 : memref<4x2048xi32, #tpu.memory_space<hbm>>)
      } else {
      }
      %scan3A_67 = arith.constant 0 : i32
      %scan3A_68 = arith.constant 4 : i32
      %scan3A_69 = arith.addi %scan3A_67, %scan3A_68 : i32
      %scan3A_70 = arith.constant 1 : i32
      scf.for %scan3A_124 = %scan3A_67 to %scan3A_69 step %scan3A_70  : i32 {
        %broadcast_in_dim3A = arith.constant -1.000000e+30 : f32
        %broadcast_in_dim3A_125 = vector.broadcast %broadcast_in_dim3A : f32 to vector<16xf32>
        %swap3A = arith.constant 0 : index
        %swap3A_126 = tpu.vector_load %arg14[%swap3A] {strides = array<i32>} : memref<2080xf32, #tpu.memory_space<vmem>>, vector<16xf32>,
        tpu.vector_store %arg14[%swap3A], %broadcast_in_dim3A_125 {strides = array<i32>} : memref<2080xf32, #tpu.memory_space<vmem>>, vector<16xf32>,
        %broadcast_in_dim3A_127 = arith.constant 1.000000e+30 : f32
        %broadcast_in_dim3A_128 = vector.broadcast %broadcast_in_dim3A_127 : f32 to vector<16xf32>
        %swap3A_129 = arith.constant 2050 : index
        %swap3A_130 = tpu.vector_load %arg14[%swap3A_129] {strides = array<i32>} : memref<2080xf32, #tpu.memory_space<vmem>>, vector<16xf32>,
        tpu.vector_store %arg14[%swap3A_129], %broadcast_in_dim3A_128 {strides = array<i32>} : memref<2080xf32, #tpu.memory_space<vmem>>, vector<16xf32>,
        %parallel_loop3A = arith.constant 0 : i32
        %parallel_loop3A_131 = arith.constant 128 : i32
        %parallel_loop3A_132 = arith.constant 1 : i32
        scf.for %parallel_loop3A_136 = %parallel_loop3A to %parallel_loop3A_131 step %parallel_loop3A_132  : i32 {
          %parallel_loop3A_137 = arith.constant 16 : i32
          %parallel_loop3A_138 = arith.muli %parallel_loop3A_136, %parallel_loop3A_137 : i32
          %parallel_loop3A_139 = arith.index_cast %scan3A_124 : i32 to index
          %parallel_loop3A_140 = arith.index_cast %parallel_loop3A_138 : i32 to index
          %parallel_loop3A_141 = tpu.vector_load %arg6[%parallel_loop3A_139, %parallel_loop3A_140] {strides = array<i32>} : memref<4x2048xi32, #tpu.memory_space<vmem>>, vector<16xi32>,
          %parallel_loop3A_142 = arith.index_cast %scan3A_124 : i32 to index
          %parallel_loop3A_143 = arith.index_cast %parallel_loop3A_138 : i32 to index
          %parallel_loop3A_144 = tpu.vector_load %arg8[%parallel_loop3A_142, %parallel_loop3A_143] {strides = array<i32>} : memref<4x2048xf32, #tpu.memory_space<vmem>>, vector<16xf32>,
          %parallel_loop3A_145 = vector.broadcast %parallel_loop3A_138 : i32 to vector<16xi32>
          %parallel_loop3A_146 = arith.addi %iota3A, %parallel_loop3A_145 : vector<16xi32>
          %parallel_loop3A_147 = arith.sitofp %parallel_loop3A_146 : vector<16xi32> to vector<16xf32>
          %parallel_loop3A_148 = arith.constant 3.000000e+00 : f32
          %parallel_loop3A_149 = vector.broadcast %parallel_loop3A_148 : f32 to vector<16xf32>
          %parallel_loop3A_150 = arith.mulf %parallel_loop3A_144, %parallel_loop3A_149 : vector<16xf32>
          %parallel_loop3A_151 = arith.addf %parallel_loop3A_147, %parallel_loop3A_150 : vector<16xf32>
          %parallel_loop3A_152 = arith.constant 3 : i32
          %parallel_loop3A_153 = vector.broadcast %parallel_loop3A_152 : i32 to vector<16xi32>
          %parallel_loop3A_154 = arith.cmpi slt, %parallel_loop3A_141, %parallel_loop3A_153 : vector<16xi32>
          %parallel_loop3A_155 = arith.constant 2.052000e+03 : f32
          %parallel_loop3A_156 = vector.broadcast %parallel_loop3A_155 : f32 to vector<16xf32>
          %parallel_loop3A_157 = arith.select %parallel_loop3A_154, %parallel_loop3A_156, %parallel_loop3A_151 : vector<16xi1>, vector<16xf32>
          %parallel_loop3A_158 = arith.constant 0 : i32
          %parallel_loop3A_159 = vector.broadcast %parallel_loop3A_158 : i32 to vector<16xi32>
          %parallel_loop3A_160 = arith.cmpi eq, %parallel_loop3A_146, %parallel_loop3A_159 : vector<16xi32>
          %parallel_loop3A_161 = arith.constant -1.000000e+00 : f32
          %parallel_loop3A_162 = vector.broadcast %parallel_loop3A_161 : f32 to vector<16xf32>
          %parallel_loop3A_163 = arith.select %parallel_loop3A_160, %parallel_loop3A_162, %parallel_loop3A_157 : vector<16xi1>, vector<16xf32>
          %parallel_loop3A_164 = arith.constant 2 : i32
          %parallel_loop3A_165 = arith.addi %parallel_loop3A_138, %parallel_loop3A_164 : i32
          %parallel_loop3A_166 = arith.index_cast %parallel_loop3A_165 : i32 to index
          %parallel_loop3A_167 = tpu.vector_load %arg14[%parallel_loop3A_166] {strides = array<i32>} : memref<2080xf32, #tpu.memory_space<vmem>>, vector<16xf32>,
          tpu.vector_store %arg14[%parallel_loop3A_166], %parallel_loop3A_163 {strides = array<i32>} : memref<2080xf32, #tpu.memory_space<vmem>>, vector<16xf32>,
        } {sc.loop_unroll_factor = 4 : i64, sc.parallel_access}
        %parallel_loop3A_133 = arith.constant 0 : i32
        %parallel_loop3A_134 = arith.constant 128 : i32
        %parallel_loop3A_135 = arith.constant 1 : i32
        scf.for %parallel_loop3A_136 = %parallel_loop3A_133 to %parallel_loop3A_134 step %parallel_loop3A_135  : i32 {
          %parallel_loop3A_137 = arith.constant 16 : i32
          %parallel_loop3A_138 = arith.muli %parallel_loop3A_136, %parallel_loop3A_137 : i32
          %parallel_loop3A_139 = arith.constant 2 : i32
          %parallel_loop3A_140 = arith.addi %parallel_loop3A_138, %parallel_loop3A_139 : i32
          %parallel_loop3A_141 = arith.index_cast %parallel_loop3A_140 : i32 to index
          %parallel_loop3A_142 = tpu.vector_load %arg14[%parallel_loop3A_141] {strides = array<i32>} : memref<2080xf32, #tpu.memory_space<vmem>>, vector<16xf32>,
          %parallel_loop3A_143 = arith.index_cast %parallel_loop3A_138 : i32 to index
          %parallel_loop3A_144 = tpu.vector_load %arg14[%parallel_loop3A_143] {strides = array<i32>} : memref<2080xf32, #tpu.memory_space<vmem>>, vector<16xf32>,
          %parallel_loop3A_145 = arith.constant 1 : i32
          %parallel_loop3A_146 = arith.addi %parallel_loop3A_138, %parallel_loop3A_145 : i32
          %parallel_loop3A_147 = arith.index_cast %parallel_loop3A_146 : i32 to index
          %parallel_loop3A_148 = tpu.vector_load %arg14[%parallel_loop3A_147] {strides = array<i32>} : memref<2080xf32, #tpu.memory_space<vmem>>, vector<16xf32>,
          %parallel_loop3A_149 = arith.constant 3 : i32
          %parallel_loop3A_150 = arith.addi %parallel_loop3A_138, %parallel_loop3A_149 : i32
          %parallel_loop3A_151 = arith.index_cast %parallel_loop3A_150 : i32 to index
          %parallel_loop3A_152 = tpu.vector_load %arg14[%parallel_loop3A_151] {strides = array<i32>} : memref<2080xf32, #tpu.memory_space<vmem>>, vector<16xf32>,
          %parallel_loop3A_153 = arith.constant 4 : i32
          %parallel_loop3A_154 = arith.addi %parallel_loop3A_138, %parallel_loop3A_153 : i32
          %parallel_loop3A_155 = arith.index_cast %parallel_loop3A_154 : i32 to index
          %parallel_loop3A_156 = tpu.vector_load %arg14[%parallel_loop3A_155] {strides = array<i32>} : memref<2080xf32, #tpu.memory_space<vmem>>, vector<16xf32>,
          %parallel_loop3A_157 = arith.cmpf olt, %parallel_loop3A_152, %parallel_loop3A_142 : vector<16xf32>
          %parallel_loop3A_158 = arith.constant 1 : i32
          %parallel_loop3A_159 = arith.constant 0 : i32
          %parallel_loop3A_160 = vector.broadcast %parallel_loop3A_158 : i32 to vector<16xi32>
          %parallel_loop3A_161 = vector.broadcast %parallel_loop3A_159 : i32 to vector<16xi32>
          %parallel_loop3A_162 = arith.select %parallel_loop3A_157, %parallel_loop3A_160, %parallel_loop3A_161 : vector<16xi1>, vector<16xi32>
          %parallel_loop3A_163 = arith.cmpf olt, %parallel_loop3A_156, %parallel_loop3A_142 : vector<16xf32>
          %parallel_loop3A_164 = arith.constant 1 : i32
          %parallel_loop3A_165 = arith.constant 0 : i32
          %parallel_loop3A_166 = vector.broadcast %parallel_loop3A_164 : i32 to vector<16xi32>
          %parallel_loop3A_167 = vector.broadcast %parallel_loop3A_165 : i32 to vector<16xi32>
          %parallel_loop3A_168 = arith.select %parallel_loop3A_163, %parallel_loop3A_166, %parallel_loop3A_167 : vector<16xi1>, vector<16xi32>
          %parallel_loop3A_169 = arith.addi %parallel_loop3A_162, %parallel_loop3A_168 : vector<16xi32>
          %parallel_loop3A_170 = arith.cmpf ogt, %parallel_loop3A_148, %parallel_loop3A_142 : vector<16xf32>
          %parallel_loop3A_171 = arith.constant 1 : i32
          %parallel_loop3A_172 = arith.constant 0 : i32
          %parallel_loop3A_173 = vector.broadcast %parallel_loop3A_171 : i32 to vector<16xi32>
          %parallel_loop3A_174 = vector.broadcast %parallel_loop3A_172 : i32 to vector<16xi32>
          %parallel_loop3A_175 = arith.select %parallel_loop3A_170, %parallel_loop3A_173, %parallel_loop3A_174 : vector<16xi1>, vector<16xi32>
          %parallel_loop3A_176 = arith.subi %parallel_loop3A_169, %parallel_loop3A_175 : vector<16xi32>
          %parallel_loop3A_177 = arith.cmpf ogt, %parallel_loop3A_144, %parallel_loop3A_142 : vector<16xf32>
          %parallel_loop3A_178 = arith.constant 1 : i32
          %parallel_loop3A_179 = arith.constant 0 : i32
          %parallel_loop3A_180 = vector.broadcast %parallel_loop3A_178 : i32 to vector<16xi32>
          %parallel_loop3A_181 = vector.broadcast %parallel_loop3A_179 : i32 to vector<16xi32>
          %parallel_loop3A_182 = arith.select %parallel_loop3A_177, %parallel_loop3A_180, %parallel_loop3A_181 : vector<16xi1>, vector<16xi32>
          %parallel_loop3A_183 = arith.subi %parallel_loop3A_176, %parallel_loop3A_182 : vector<16xi32>
          %parallel_loop3A_184 = arith.index_cast %scan3A_124 : i32 to index
          %parallel_loop3A_185 = arith.index_cast %parallel_loop3A_138 : i32 to index
          %parallel_loop3A_186 = tpu.vector_load %arg6[%parallel_loop3A_184, %parallel_loop3A_185] {strides = array<i32>} : memref<4x2048xi32, #tpu.memory_space<vmem>>, vector<16xi32>,
          %parallel_loop3A_187 = arith.index_cast %scan3A_124 : i32 to index
          %parallel_loop3A_188 = arith.index_cast %parallel_loop3A_138 : i32 to index
          %parallel_loop3A_189 = tpu.vector_load %arg7[%parallel_loop3A_187, %parallel_loop3A_188] {strides = array<i32>} : memref<4x2048xf32, #tpu.memory_space<vmem>>, vector<16xf32>,
          %parallel_loop3A_190 = arith.constant 1.500000e-01 : f32
          %parallel_loop3A_191 = vector.broadcast %parallel_loop3A_190 : f32 to vector<16xf32>
          %parallel_loop3A_192 = arith.cmpf olt, %parallel_loop3A_189, %parallel_loop3A_191 : vector<16xf32>
          %parallel_loop3A_193 = arith.constant 3 : i32
          %parallel_loop3A_194 = vector.broadcast %parallel_loop3A_193 : i32 to vector<16xi32>
          %parallel_loop3A_195 = arith.cmpi slt, %parallel_loop3A_186, %parallel_loop3A_194 : vector<16xi32>
          %parallel_loop3A_196 = arith.constant 4 : i32
          %parallel_loop3A_197 = vector.broadcast %parallel_loop3A_196 : i32 to vector<16xi32>
          %parallel_loop3A_198 = arith.select %parallel_loop3A_195, %parallel_loop3A_186, %parallel_loop3A_197 : vector<16xi1>, vector<16xi32>
          %parallel_loop3A_199 = arith.select %parallel_loop3A_192, %parallel_loop3A_198, %parallel_loop3A_186 : vector<16xi1>, vector<16xi32>
          %parallel_loop3A_200 = vector.broadcast %scan3A_124 : i32 to vector<16xi32>
          %parallel_loop3A_201 = vector.broadcast %parallel_loop3A_138 : i32 to vector<16xi32>
          %parallel_loop3A_202 = arith.addi %parallel_loop3A_201, %parallel_loop3A_183 : vector<16xi32>
          %parallel_loop3A_203 = arith.addi %iota3A, %parallel_loop3A_202 : vector<16xi32>
          tpu.vector_store_idx %arg9[%parallel_loop3A_200, %parallel_loop3A_203], %parallel_loop3A_199 : memref<4x2048xi32, #tpu.memory_space<vmem>>[vector<16xi32>, vector<16xi32>], vector<16xi32>,
        } {sc.loop_unroll_factor = 4 : i64, sc.parallel_access}
      }
      %scan3A_71 = arith.constant 4 : i32
      %mul3A_72 = arith.constant 4 : i32
      %mul3A_73 = arith.muli %add3A_49, %mul3A_72 : i32
      %add3A_74 = arith.addi %mul3A_2, %mul3A_73 : i32
      %dma_start3A_75 = arith.constant 0 : i32
      %dma_start3A_76 = tpu.memref_slice %arg5[%add3A_74, %dma_start3A_75] : memref<512x2048xi32, #tpu.memory_space<hbm>> -> memref<4x2048xi32, #tpu.memory_space<hbm>>
      %dma_start3A_77 = arith.constant 0 : i32
      %dma_start3A_78 = tpu.memref_slice %arg5[%add3A_74, %dma_start3A_77] : memref<512x2048xi32, #tpu.memory_space<hbm>> -> memref<4x2048xi32, #tpu.memory_space<hbm>>
      tpu.enqueue_dma source(%arg9 : memref<4x2048xi32, #tpu.memory_space<vmem>>) target(%dma_start3A_78 : memref<4x2048xi32, #tpu.memory_space<hbm>>) target_semaphore(%arg17 : memref<!tpu.dma_semaphore, #tpu.memory_space<semaphore_mem>>)
      %lt3A = arith.constant 1 : i32
      %lt3A_79 = arith.cmpi slt, %scan3A_45, %lt3A : i32
      %convert_element_type3A_80 = arith.extui %lt3A_79 : i1 to i32
      %cond3A_81 = arith.constant 0 : i32
      %cond3A_82 = arith.cmpi ne, %convert_element_type3A_80, %cond3A_81 : i32
      scf.if %cond3A_82 {
        %add3A_124 = arith.constant 2 : i32
        %add3A_125 = arith.addi %add3A_49, %add3A_124 : i32
        %mul3A_126 = arith.constant 4 : i32
        %mul3A_127 = arith.muli %add3A_125, %mul3A_126 : i32
        %add3A_128 = arith.addi %mul3A_2, %mul3A_127 : i32
        %dma_start3A_129 = arith.constant 0 : i32
        %dma_start3A_130 = tpu.memref_slice %arg2[%add3A_128, %dma_start3A_129] : memref<1024x2048xi32, #tpu.memory_space<hbm>> -> memref<4x2048xi32, #tpu.memory_space<hbm>>
        %dma_start3A_131 = arith.constant 0 : i32
        %dma_start3A_132 = tpu.memref_slice %arg2[%add3A_128, %dma_start3A_131] : memref<1024x2048xi32, #tpu.memory_space<hbm>> -> memref<4x2048xi32, #tpu.memory_space<hbm>>
        tpu.enqueue_dma source(%dma_start3A_132 : memref<4x2048xi32, #tpu.memory_space<hbm>>) target(%arg6 : memref<4x2048xi32, #tpu.memory_space<vmem>>) target_semaphore(%arg15 : memref<!tpu.dma_semaphore, #tpu.memory_space<semaphore_mem>>)
        %dma_start3A_133 = arith.constant 0 : i32
        %dma_start3A_134 = tpu.memref_slice %arg3[%add3A_128, %dma_start3A_133] : memref<1024x2048xf32, #tpu.memory_space<hbm>> -> memref<4x2048xf32, #tpu.memory_space<hbm>>
        %dma_start3A_135 = arith.constant 0 : i32
        %dma_start3A_136 = tpu.memref_slice %arg3[%add3A_128, %dma_start3A_135] : memref<1024x2048xf32, #tpu.memory_space<hbm>> -> memref<4x2048xf32, #tpu.memory_space<hbm>>
        tpu.enqueue_dma source(%dma_start3A_136 : memref<4x2048xf32, #tpu.memory_space<hbm>>) target(%arg7 : memref<4x2048xf32, #tpu.memory_space<vmem>>) target_semaphore(%arg15 : memref<!tpu.dma_semaphore, #tpu.memory_space<semaphore_mem>>)
        %dma_start3A_137 = arith.constant 0 : i32
        %dma_start3A_138 = tpu.memref_slice %arg4[%add3A_128, %dma_start3A_137] : memref<1024x2048xf32, #tpu.memory_space<hbm>> -> memref<4x2048xf32, #tpu.memory_space<hbm>>
        %dma_start3A_139 = arith.constant 0 : i32
        %dma_start3A_140 = tpu.memref_slice %arg4[%add3A_128, %dma_start3A_139] : memref<1024x2048xf32, #tpu.memory_space<hbm>> -> memref<4x2048xf32, #tpu.memory_space<hbm>>
        tpu.enqueue_dma source(%dma_start3A_140 : memref<4x2048xf32, #tpu.memory_space<hbm>>) target(%arg8 : memref<4x2048xf32, #tpu.memory_space<vmem>>) target_semaphore(%arg15 : memref<!tpu.dma_semaphore, #tpu.memory_space<semaphore_mem>>)
      } else {
      }
      %mul3A_83 = arith.constant 2 : i32
      %mul3A_84 = arith.muli %mul3A_83, %scan3A_45 : i32
      %add3A_85 = arith.constant 1 : i32
      %add3A_86 = arith.addi %mul3A_84, %add3A_85 : i32
      %mul3A_87 = arith.constant 4 : i32
      %mul3A_88 = arith.muli %add3A_86, %mul3A_87 : i32
      %add3A_89 = arith.addi %mul3A_2, %mul3A_88 : i32
      %dma_wait3A_90 = arith.constant 0 : i32
      %dma_wait3A_91 = tpu.memref_slice %arg2[%add3A_89, %dma_wait3A_90] : memref<1024x2048xi32, #tpu.memory_space<hbm>> -> memref<4x2048xi32, #tpu.memory_space<hbm>>
      %dma_wait3A_92 = arith.constant 0 : i32
      %dma_wait3A_93 = tpu.memref_slice %arg2[%add3A_89, %dma_wait3A_92] : memref<1024x2048xi32, #tpu.memory_space<hbm>> -> memref<4x2048xi32, #tpu.memory_space<hbm>>
      tpu.wait_dma2 semaphore(%arg16 : memref<!tpu.dma_semaphore, #tpu.memory_space<semaphore_mem>>) src(%dma_wait3A_93 : memref<4x2048xi32, #tpu.memory_space<hbm>>) dst(%arg10 : memref<4x2048xi32, #tpu.memory_space<vmem>>)
      %dma_wait3A_94 = arith.constant 0 : i32
      %dma_wait3A_95 = tpu.memref_slice %arg3[%add3A_89, %dma_wait3A_94] : memref<1024x2048xf32, #tpu.memory_space<hbm>> -> memref<4x2048xf32, #tpu.memory_space<hbm>>
      %dma_wait3A_96 = arith.constant 0 : i32
      %dma_wait3A_97 = tpu.memref_slice %arg3[%add3A_89, %dma_wait3A_96] : memref<1024x2048xf32, #tpu.memory_space<hbm>> -> memref<4x2048xf32, #tpu.memory_space<hbm>>
      tpu.wait_dma2 semaphore(%arg16 : memref<!tpu.dma_semaphore, #tpu.memory_space<semaphore_mem>>) src(%dma_wait3A_97 : memref<4x2048xf32, #tpu.memory_space<hbm>>) dst(%arg11 : memref<4x2048xf32, #tpu.memory_space<vmem>>)
      %dma_wait3A_98 = arith.constant 0 : i32
      %dma_wait3A_99 = tpu.memref_slice %arg4[%add3A_89, %dma_wait3A_98] : memref<1024x2048xf32, #tpu.memory_space<hbm>> -> memref<4x2048xf32, #tpu.memory_space<hbm>>
      %dma_wait3A_100 = arith.constant 0 : i32
      %dma_wait3A_101 = tpu.memref_slice %arg4[%add3A_89, %dma_wait3A_100] : memref<1024x2048xf32, #tpu.memory_space<hbm>> -> memref<4x2048xf32, #tpu.memory_space<hbm>>
      tpu.wait_dma2 semaphore(%arg16 : memref<!tpu.dma_semaphore, #tpu.memory_space<semaphore_mem>>) src(%dma_wait3A_101 : memref<4x2048xf32, #tpu.memory_space<hbm>>) dst(%arg12 : memref<4x2048xf32, #tpu.memory_space<vmem>>)
      %gt3A_102 = arith.constant 0 : i32
      %gt3A_103 = arith.cmpi sgt, %scan3A_45, %gt3A_102 : i32
      %convert_element_type3A_104 = arith.extui %gt3A_103 : i1 to i32
      %cond3A_105 = arith.constant 0 : i32
      %cond3A_106 = arith.cmpi ne, %convert_element_type3A_104, %cond3A_105 : i32
      scf.if %cond3A_106 {
        %sub3A = arith.constant 2 : i32
        %sub3A_124 = arith.subi %add3A_86, %sub3A : i32
        %mul3A_125 = arith.constant 4 : i32
        %mul3A_126 = arith.muli %sub3A_124, %mul3A_125 : i32
        %add3A_127 = arith.addi %mul3A_2, %mul3A_126 : i32
        %dma_wait3A_128 = arith.constant 0 : i32
        %dma_wait3A_129 = tpu.memref_slice %arg5[%add3A_127, %dma_wait3A_128] : memref<512x2048xi32, #tpu.memory_space<hbm>> -> memref<4x2048xi32, #tpu.memory_space<hbm>>
        %dma_wait3A_130 = arith.constant 0 : i32
        %dma_wait3A_131 = tpu.memref_slice %arg5[%add3A_127, %dma_wait3A_130] : memref<512x2048xi32, #tpu.memory_space<hbm>> -> memref<4x2048xi32, #tpu.memory_space<hbm>>
        tpu.wait_dma2 semaphore(%arg18 : memref<!tpu.dma_semaphore, #tpu.memory_space<semaphore_mem>>) src(%arg13 : memref<4x2048xi32, #tpu.memory_space<vmem>>) dst(%dma_wait3A_131 : memref<4x2048xi32, #tpu.memory_space<hbm>>)
      } else {
      }
      %scan3A_107 = arith.constant 0 : i32
      %scan3A_108 = arith.constant 4 : i32
      %scan3A_109 = arith.addi %scan3A_107, %scan3A_108 : i32
      %scan3A_110 = arith.constant 1 : i32
      scf.for %scan3A_124 = %scan3A_107 to %scan3A_109 step %scan3A_110  : i32 {
        %broadcast_in_dim3A = arith.constant -1.000000e+30 : f32
        %broadcast_in_dim3A_125 = vector.broadcast %broadcast_in_dim3A : f32 to vector<16xf32>
        %swap3A = arith.constant 0 : index
        %swap3A_126 = tpu.vector_load %arg14[%swap3A] {strides = array<i32>} : memref<2080xf32, #tpu.memory_space<vmem>>, vector<16xf32>,
        tpu.vector_store %arg14[%swap3A], %broadcast_in_dim3A_125 {strides = array<i32>} : memref<2080xf32, #tpu.memory_space<vmem>>, vector<16xf32>,
        %broadcast_in_dim3A_127 = arith.constant 1.000000e+30 : f32
        %broadcast_in_dim3A_128 = vector.broadcast %broadcast_in_dim3A_127 : f32 to vector<16xf32>
        %swap3A_129 = arith.constant 2050 : index
        %swap3A_130 = tpu.vector_load %arg14[%swap3A_129] {strides = array<i32>} : memref<2080xf32, #tpu.memory_space<vmem>>, vector<16xf32>,
        tpu.vector_store %arg14[%swap3A_129], %broadcast_in_dim3A_128 {strides = array<i32>} : memref<2080xf32, #tpu.memory_space<vmem>>, vector<16xf32>,
        %parallel_loop3A = arith.constant 0 : i32
        %parallel_loop3A_131 = arith.constant 128 : i32
        %parallel_loop3A_132 = arith.constant 1 : i32
        scf.for %parallel_loop3A_136 = %parallel_loop3A to %parallel_loop3A_131 step %parallel_loop3A_132  : i32 {
          %parallel_loop3A_137 = arith.constant 16 : i32
          %parallel_loop3A_138 = arith.muli %parallel_loop3A_136, %parallel_loop3A_137 : i32
          %parallel_loop3A_139 = arith.index_cast %scan3A_124 : i32 to index
          %parallel_loop3A_140 = arith.index_cast %parallel_loop3A_138 : i32 to index
          %parallel_loop3A_141 = tpu.vector_load %arg10[%parallel_loop3A_139, %parallel_loop3A_140] {strides = array<i32>} : memref<4x2048xi32, #tpu.memory_space<vmem>>, vector<16xi32>,
          %parallel_loop3A_142 = arith.index_cast %scan3A_124 : i32 to index
          %parallel_loop3A_143 = arith.index_cast %parallel_loop3A_138 : i32 to index
          %parallel_loop3A_144 = tpu.vector_load %arg12[%parallel_loop3A_142, %parallel_loop3A_143] {strides = array<i32>} : memref<4x2048xf32, #tpu.memory_space<vmem>>, vector<16xf32>,
          %parallel_loop3A_145 = vector.broadcast %parallel_loop3A_138 : i32 to vector<16xi32>
          %parallel_loop3A_146 = arith.addi %iota3A, %parallel_loop3A_145 : vector<16xi32>
          %parallel_loop3A_147 = arith.sitofp %parallel_loop3A_146 : vector<16xi32> to vector<16xf32>
          %parallel_loop3A_148 = arith.constant 3.000000e+00 : f32
          %parallel_loop3A_149 = vector.broadcast %parallel_loop3A_148 : f32 to vector<16xf32>
          %parallel_loop3A_150 = arith.mulf %parallel_loop3A_144, %parallel_loop3A_149 : vector<16xf32>
          %parallel_loop3A_151 = arith.addf %parallel_loop3A_147, %parallel_loop3A_150 : vector<16xf32>
          %parallel_loop3A_152 = arith.constant 3 : i32
          %parallel_loop3A_153 = vector.broadcast %parallel_loop3A_152 : i32 to vector<16xi32>
          %parallel_loop3A_154 = arith.cmpi slt, %parallel_loop3A_141, %parallel_loop3A_153 : vector<16xi32>
          %parallel_loop3A_155 = arith.constant 2.052000e+03 : f32
          %parallel_loop3A_156 = vector.broadcast %parallel_loop3A_155 : f32 to vector<16xf32>
          %parallel_loop3A_157 = arith.select %parallel_loop3A_154, %parallel_loop3A_156, %parallel_loop3A_151 : vector<16xi1>, vector<16xf32>
          %parallel_loop3A_158 = arith.constant 0 : i32
          %parallel_loop3A_159 = vector.broadcast %parallel_loop3A_158 : i32 to vector<16xi32>
          %parallel_loop3A_160 = arith.cmpi eq, %parallel_loop3A_146, %parallel_loop3A_159 : vector<16xi32>
          %parallel_loop3A_161 = arith.constant -1.000000e+00 : f32
          %parallel_loop3A_162 = vector.broadcast %parallel_loop3A_161 : f32 to vector<16xf32>
          %parallel_loop3A_163 = arith.select %parallel_loop3A_160, %parallel_loop3A_162, %parallel_loop3A_157 : vector<16xi1>, vector<16xf32>
          %parallel_loop3A_164 = arith.constant 2 : i32
          %parallel_loop3A_165 = arith.addi %parallel_loop3A_138, %parallel_loop3A_164 : i32
          %parallel_loop3A_166 = arith.index_cast %parallel_loop3A_165 : i32 to index
          %parallel_loop3A_167 = tpu.vector_load %arg14[%parallel_loop3A_166] {strides = array<i32>} : memref<2080xf32, #tpu.memory_space<vmem>>, vector<16xf32>,
          tpu.vector_store %arg14[%parallel_loop3A_166], %parallel_loop3A_163 {strides = array<i32>} : memref<2080xf32, #tpu.memory_space<vmem>>, vector<16xf32>,
        } {sc.loop_unroll_factor = 4 : i64, sc.parallel_access}
        %parallel_loop3A_133 = arith.constant 0 : i32
        %parallel_loop3A_134 = arith.constant 128 : i32
        %parallel_loop3A_135 = arith.constant 1 : i32
        scf.for %parallel_loop3A_136 = %parallel_loop3A_133 to %parallel_loop3A_134 step %parallel_loop3A_135  : i32 {
          %parallel_loop3A_137 = arith.constant 16 : i32
          %parallel_loop3A_138 = arith.muli %parallel_loop3A_136, %parallel_loop3A_137 : i32
          %parallel_loop3A_139 = arith.constant 2 : i32
          %parallel_loop3A_140 = arith.addi %parallel_loop3A_138, %parallel_loop3A_139 : i32
          %parallel_loop3A_141 = arith.index_cast %parallel_loop3A_140 : i32 to index
          %parallel_loop3A_142 = tpu.vector_load %arg14[%parallel_loop3A_141] {strides = array<i32>} : memref<2080xf32, #tpu.memory_space<vmem>>, vector<16xf32>,
          %parallel_loop3A_143 = arith.index_cast %parallel_loop3A_138 : i32 to index
          %parallel_loop3A_144 = tpu.vector_load %arg14[%parallel_loop3A_143] {strides = array<i32>} : memref<2080xf32, #tpu.memory_space<vmem>>, vector<16xf32>,
          %parallel_loop3A_145 = arith.constant 1 : i32
          %parallel_loop3A_146 = arith.addi %parallel_loop3A_138, %parallel_loop3A_145 : i32
          %parallel_loop3A_147 = arith.index_cast %parallel_loop3A_146 : i32 to index
          %parallel_loop3A_148 = tpu.vector_load %arg14[%parallel_loop3A_147] {strides = array<i32>} : memref<2080xf32, #tpu.memory_space<vmem>>, vector<16xf32>,
          %parallel_loop3A_149 = arith.constant 3 : i32
          %parallel_loop3A_150 = arith.addi %parallel_loop3A_138, %parallel_loop3A_149 : i32
          %parallel_loop3A_151 = arith.index_cast %parallel_loop3A_150 : i32 to index
          %parallel_loop3A_152 = tpu.vector_load %arg14[%parallel_loop3A_151] {strides = array<i32>} : memref<2080xf32, #tpu.memory_space<vmem>>, vector<16xf32>,
          %parallel_loop3A_153 = arith.constant 4 : i32
          %parallel_loop3A_154 = arith.addi %parallel_loop3A_138, %parallel_loop3A_153 : i32
          %parallel_loop3A_155 = arith.index_cast %parallel_loop3A_154 : i32 to index
          %parallel_loop3A_156 = tpu.vector_load %arg14[%parallel_loop3A_155] {strides = array<i32>} : memref<2080xf32, #tpu.memory_space<vmem>>, vector<16xf32>,
          %parallel_loop3A_157 = arith.cmpf olt, %parallel_loop3A_152, %parallel_loop3A_142 : vector<16xf32>
          %parallel_loop3A_158 = arith.constant 1 : i32
          %parallel_loop3A_159 = arith.constant 0 : i32
          %parallel_loop3A_160 = vector.broadcast %parallel_loop3A_158 : i32 to vector<16xi32>
          %parallel_loop3A_161 = vector.broadcast %parallel_loop3A_159 : i32 to vector<16xi32>
          %parallel_loop3A_162 = arith.select %parallel_loop3A_157, %parallel_loop3A_160, %parallel_loop3A_161 : vector<16xi1>, vector<16xi32>
          %parallel_loop3A_163 = arith.cmpf olt, %parallel_loop3A_156, %parallel_loop3A_142 : vector<16xf32>
          %parallel_loop3A_164 = arith.constant 1 : i32
          %parallel_loop3A_165 = arith.constant 0 : i32
          %parallel_loop3A_166 = vector.broadcast %parallel_loop3A_164 : i32 to vector<16xi32>
          %parallel_loop3A_167 = vector.broadcast %parallel_loop3A_165 : i32 to vector<16xi32>
          %parallel_loop3A_168 = arith.select %parallel_loop3A_163, %parallel_loop3A_166, %parallel_loop3A_167 : vector<16xi1>, vector<16xi32>
          %parallel_loop3A_169 = arith.addi %parallel_loop3A_162, %parallel_loop3A_168 : vector<16xi32>
          %parallel_loop3A_170 = arith.cmpf ogt, %parallel_loop3A_148, %parallel_loop3A_142 : vector<16xf32>
          %parallel_loop3A_171 = arith.constant 1 : i32
          %parallel_loop3A_172 = arith.constant 0 : i32
          %parallel_loop3A_173 = vector.broadcast %parallel_loop3A_171 : i32 to vector<16xi32>
          %parallel_loop3A_174 = vector.broadcast %parallel_loop3A_172 : i32 to vector<16xi32>
          %parallel_loop3A_175 = arith.select %parallel_loop3A_170, %parallel_loop3A_173, %parallel_loop3A_174 : vector<16xi1>, vector<16xi32>
          %parallel_loop3A_176 = arith.subi %parallel_loop3A_169, %parallel_loop3A_175 : vector<16xi32>
          %parallel_loop3A_177 = arith.cmpf ogt, %parallel_loop3A_144, %parallel_loop3A_142 : vector<16xf32>
          %parallel_loop3A_178 = arith.constant 1 : i32
          %parallel_loop3A_179 = arith.constant 0 : i32
          %parallel_loop3A_180 = vector.broadcast %parallel_loop3A_178 : i32 to vector<16xi32>
          %parallel_loop3A_181 = vector.broadcast %parallel_loop3A_179 : i32 to vector<16xi32>
          %parallel_loop3A_182 = arith.select %parallel_loop3A_177, %parallel_loop3A_180, %parallel_loop3A_181 : vector<16xi1>, vector<16xi32>
          %parallel_loop3A_183 = arith.subi %parallel_loop3A_176, %parallel_loop3A_182 : vector<16xi32>
          %parallel_loop3A_184 = arith.index_cast %scan3A_124 : i32 to index
          %parallel_loop3A_185 = arith.index_cast %parallel_loop3A_138 : i32 to index
          %parallel_loop3A_186 = tpu.vector_load %arg10[%parallel_loop3A_184, %parallel_loop3A_185] {strides = array<i32>} : memref<4x2048xi32, #tpu.memory_space<vmem>>, vector<16xi32>,
          %parallel_loop3A_187 = arith.index_cast %scan3A_124 : i32 to index
          %parallel_loop3A_188 = arith.index_cast %parallel_loop3A_138 : i32 to index
          %parallel_loop3A_189 = tpu.vector_load %arg11[%parallel_loop3A_187, %parallel_loop3A_188] {strides = array<i32>} : memref<4x2048xf32, #tpu.memory_space<vmem>>, vector<16xf32>,
          %parallel_loop3A_190 = arith.constant 1.500000e-01 : f32
          %parallel_loop3A_191 = vector.broadcast %parallel_loop3A_190 : f32 to vector<16xf32>
          %parallel_loop3A_192 = arith.cmpf olt, %parallel_loop3A_189, %parallel_loop3A_191 : vector<16xf32>
          %parallel_loop3A_193 = arith.constant 3 : i32
          %parallel_loop3A_194 = vector.broadcast %parallel_loop3A_193 : i32 to vector<16xi32>
          %parallel_loop3A_195 = arith.cmpi slt, %parallel_loop3A_186, %parallel_loop3A_194 : vector<16xi32>
          %parallel_loop3A_196 = arith.constant 4 : i32
          %parallel_loop3A_197 = vector.broadcast %parallel_loop3A_196 : i32 to vector<16xi32>
          %parallel_loop3A_198 = arith.select %parallel_loop3A_195, %parallel_loop3A_186, %parallel_loop3A_197 : vector<16xi1>, vector<16xi32>
          %parallel_loop3A_199 = arith.select %parallel_loop3A_192, %parallel_loop3A_198, %parallel_loop3A_186 : vector<16xi1>, vector<16xi32>
          %parallel_loop3A_200 = vector.broadcast %scan3A_124 : i32 to vector<16xi32>
          %parallel_loop3A_201 = vector.broadcast %parallel_loop3A_138 : i32 to vector<16xi32>
          %parallel_loop3A_202 = arith.addi %parallel_loop3A_201, %parallel_loop3A_183 : vector<16xi32>
          %parallel_loop3A_203 = arith.addi %iota3A, %parallel_loop3A_202 : vector<16xi32>
          tpu.vector_store_idx %arg13[%parallel_loop3A_200, %parallel_loop3A_203], %parallel_loop3A_199 : memref<4x2048xi32, #tpu.memory_space<vmem>>[vector<16xi32>, vector<16xi32>], vector<16xi32>,
        } {sc.loop_unroll_factor = 4 : i64, sc.parallel_access}
      }
      %scan3A_111 = arith.constant 4 : i32
      %mul3A_112 = arith.constant 4 : i32
      %mul3A_113 = arith.muli %add3A_86, %mul3A_112 : i32
      %add3A_114 = arith.addi %mul3A_2, %mul3A_113 : i32
      %dma_start3A_115 = arith.constant 0 : i32
      %dma_start3A_116 = tpu.memref_slice %arg5[%add3A_114, %dma_start3A_115] : memref<512x2048xi32, #tpu.memory_space<hbm>> -> memref<4x2048xi32, #tpu.memory_space<hbm>>
      %dma_start3A_117 = arith.constant 0 : i32
      %dma_start3A_118 = tpu.memref_slice %arg5[%add3A_114, %dma_start3A_117] : memref<512x2048xi32, #tpu.memory_space<hbm>> -> memref<4x2048xi32, #tpu.memory_space<hbm>>
      tpu.enqueue_dma source(%arg13 : memref<4x2048xi32, #tpu.memory_space<vmem>>) target(%dma_start3A_118 : memref<4x2048xi32, #tpu.memory_space<hbm>>) target_semaphore(%arg18 : memref<!tpu.dma_semaphore, #tpu.memory_space<semaphore_mem>>)
      %lt3A_119 = arith.constant 1 : i32
      %lt3A_120 = arith.cmpi slt, %scan3A_45, %lt3A_119 : i32
      %convert_element_type3A_121 = arith.extui %lt3A_120 : i1 to i32
      %cond3A_122 = arith.constant 0 : i32
      %cond3A_123 = arith.cmpi ne, %convert_element_type3A_121, %cond3A_122 : i32
      scf.if %cond3A_123 {
        %add3A_124 = arith.constant 2 : i32
        %add3A_125 = arith.addi %add3A_86, %add3A_124 : i32
        %mul3A_126 = arith.constant 4 : i32
        %mul3A_127 = arith.muli %add3A_125, %mul3A_126 : i32
        %add3A_128 = arith.addi %mul3A_2, %mul3A_127 : i32
        %dma_start3A_129 = arith.constant 0 : i32
        %dma_start3A_130 = tpu.memref_slice %arg2[%add3A_128, %dma_start3A_129] : memref<1024x2048xi32, #tpu.memory_space<hbm>> -> memref<4x2048xi32, #tpu.memory_space<hbm>>
        %dma_start3A_131 = arith.constant 0 : i32
        %dma_start3A_132 = tpu.memref_slice %arg2[%add3A_128, %dma_start3A_131] : memref<1024x2048xi32, #tpu.memory_space<hbm>> -> memref<4x2048xi32, #tpu.memory_space<hbm>>
        tpu.enqueue_dma source(%dma_start3A_132 : memref<4x2048xi32, #tpu.memory_space<hbm>>) target(%arg10 : memref<4x2048xi32, #tpu.memory_space<vmem>>) target_semaphore(%arg16 : memref<!tpu.dma_semaphore, #tpu.memory_space<semaphore_mem>>)
        %dma_start3A_133 = arith.constant 0 : i32
        %dma_start3A_134 = tpu.memref_slice %arg3[%add3A_128, %dma_start3A_133] : memref<1024x2048xf32, #tpu.memory_space<hbm>> -> memref<4x2048xf32, #tpu.memory_space<hbm>>
        %dma_start3A_135 = arith.constant 0 : i32
        %dma_start3A_136 = tpu.memref_slice %arg3[%add3A_128, %dma_start3A_135] : memref<1024x2048xf32, #tpu.memory_space<hbm>> -> memref<4x2048xf32, #tpu.memory_space<hbm>>
        tpu.enqueue_dma source(%dma_start3A_136 : memref<4x2048xf32, #tpu.memory_space<hbm>>) target(%arg11 : memref<4x2048xf32, #tpu.memory_space<vmem>>) target_semaphore(%arg16 : memref<!tpu.dma_semaphore, #tpu.memory_space<semaphore_mem>>)
        %dma_start3A_137 = arith.constant 0 : i32
        %dma_start3A_138 = tpu.memref_slice %arg4[%add3A_128, %dma_start3A_137] : memref<1024x2048xf32, #tpu.memory_space<hbm>> -> memref<4x2048xf32, #tpu.memory_space<hbm>>
        %dma_start3A_139 = arith.constant 0 : i32
        %dma_start3A_140 = tpu.memref_slice %arg4[%add3A_128, %dma_start3A_139] : memref<1024x2048xf32, #tpu.memory_space<hbm>> -> memref<4x2048xf32, #tpu.memory_space<hbm>>
        tpu.enqueue_dma source(%dma_start3A_140 : memref<4x2048xf32, #tpu.memory_space<hbm>>) target(%arg12 : memref<4x2048xf32, #tpu.memory_space<vmem>>) target_semaphore(%arg16 : memref<!tpu.dma_semaphore, #tpu.memory_space<semaphore_mem>>)
      } else {
      }
    }
    %scan3A_33 = arith.constant 2 : i32
    %add3A_34 = arith.constant 8 : i32
    %add3A_35 = arith.addi %mul3A_2, %add3A_34 : i32
    %dma_wait3A = arith.constant 0 : i32
    %dma_wait3A_36 = tpu.memref_slice %arg5[%add3A_35, %dma_wait3A] : memref<512x2048xi32, #tpu.memory_space<hbm>> -> memref<4x2048xi32, #tpu.memory_space<hbm>>
    %dma_wait3A_37 = arith.constant 0 : i32
    %dma_wait3A_38 = tpu.memref_slice %arg5[%add3A_35, %dma_wait3A_37] : memref<512x2048xi32, #tpu.memory_space<hbm>> -> memref<4x2048xi32, #tpu.memory_space<hbm>>
    tpu.wait_dma2 semaphore(%arg17 : memref<!tpu.dma_semaphore, #tpu.memory_space<semaphore_mem>>) src(%arg9 : memref<4x2048xi32, #tpu.memory_space<vmem>>) dst(%dma_wait3A_38 : memref<4x2048xi32, #tpu.memory_space<hbm>>)
    %add3A_39 = arith.constant 12 : i32
    %add3A_40 = arith.addi %mul3A_2, %add3A_39 : i32
    %dma_wait3A_41 = arith.constant 0 : i32
    %dma_wait3A_42 = tpu.memref_slice %arg5[%add3A_40, %dma_wait3A_41] : memref<512x2048xi32, #tpu.memory_space<hbm>> -> memref<4x2048xi32, #tpu.memory_space<hbm>>
    %dma_wait3A_43 = arith.constant 0 : i32
    %dma_wait3A_44 = tpu.memref_slice %arg5[%add3A_40, %dma_wait3A_43] : memref<512x2048xi32, #tpu.memory_space<hbm>> -> memref<4x2048xi32, #tpu.memory_space<hbm>>
    tpu.wait_dma2 semaphore(%arg18 : memref<!tpu.dma_semaphore, #tpu.memory_space<semaphore_mem>>) src(%arg13 : memref<4x2048xi32, #tpu.memory_space<vmem>>) dst(%dma_wait3A_44 : memref<4x2048xi32, #tpu.memory_space<hbm>>)
    return
  }
}

module attributes {stable_mosaic.version = 14 : i64} {
  func.func @_tc_body(%arg0: i32, %arg1: memref<8x2048xi32, #tpu.memory_space<vmem>>, %arg2: memref<8x2048xf32, #tpu.memory_space<vmem>>, %arg3: memref<8x2048xf32, #tpu.memory_space<vmem>>, %arg4: memref<8x2048xi32, #tpu.memory_space<vmem>>) attributes {dimension_semantics = [#tpu.dimension_semantics<arbitrary>], iteration_bounds = array<i64: 64>, scalar_prefetch = 0 : i64, scratch_operands = 0 : i64, tpu.core_type = #tpu.core_type<tc>, window_params = [{transform_indices = @transform_0, window_bounds = array<i64: 8, 2048>}, {transform_indices = @transform_1, window_bounds = array<i64: 8, 2048>}, {transform_indices = @transform_2, window_bounds = array<i64: 8, 2048>}, {transform_indices = @transform_3, window_bounds = array<i64: 8, 2048>}]} {
    %iota3A = tpu.iota {dimensions = array<i32: 1>} : vector<8x2048xi32>
    %get3A = arith.constant 0 : index
    %get3A_0 = arith.constant 0 : index
    %get3A_1 = vector.load %arg1[%get3A, %get3A_0] : memref<8x2048xi32, #tpu.memory_space<vmem>>, vector<8x2048xi32>
    %get3A_2 = arith.constant 0 : index
    %get3A_3 = arith.constant 0 : index
    %get3A_4 = vector.load %arg2[%get3A_2, %get3A_3] : memref<8x2048xf32, #tpu.memory_space<vmem>>, vector<8x2048xf32>
    %get3A_5 = arith.constant 0 : index
    %get3A_6 = arith.constant 0 : index
    %get3A_7 = vector.load %arg3[%get3A_5, %get3A_6] : memref<8x2048xf32, #tpu.memory_space<vmem>>, vector<8x2048xf32>
    %lt3A = arith.constant 3 : i32
    %lt3A_8 = vector.broadcast %lt3A : i32 to vector<8x2048xi32>
    %lt3A_9 = arith.cmpi slt, %get3A_1, %lt3A_8 : vector<8x2048xi32>
    %convert_element_type3A = arith.sitofp %iota3A : vector<8x2048xi32> to vector<8x2048xf32>
    %mul3A = arith.constant 3.000000e+00 : f32
    %mul3A_10 = vector.broadcast %mul3A : f32 to vector<8x2048xf32>
    %mul3A_11 = arith.mulf %get3A_7, %mul3A_10 : vector<8x2048xf32>
    %add3A = arith.addf %convert_element_type3A, %mul3A_11 : vector<8x2048xf32>
    %jit3A = arith.constant 2.052000e+03 : f32
    %broadcast_in_dim3A = vector.broadcast %jit3A : f32 to vector<8x2048xf32>
    %select_n3A = arith.select %lt3A_9, %broadcast_in_dim3A, %add3A : vector<8x2048xi1>, vector<8x2048xf32>
    %eq3A = arith.constant 0 : i32
    %eq3A_12 = vector.broadcast %eq3A : i32 to vector<8x2048xi32>
    %eq3A_13 = arith.cmpi eq, %iota3A, %eq3A_12 : vector<8x2048xi32>
    %jit3A_14 = arith.constant -1.000000e+00 : f32
    %broadcast_in_dim3A_15 = vector.broadcast %jit3A_14 : f32 to vector<8x2048xf32>
    %select_n3A_16 = arith.select %eq3A_13, %broadcast_in_dim3A_15, %select_n3A : vector<8x2048xi1>, vector<8x2048xf32>
    %broadcast_in_dim3A_17 = arith.constant 1.000000e+30 : f32
    %broadcast_in_dim3A_18 = vector.broadcast %broadcast_in_dim3A_17 : f32 to vector<8x1xf32>
    %slice3A = vector.extract_strided_slice %select_n3A_16 {offsets = [0, 1], sizes = [8, 2047], strides = [1, 1]} : vector<8x2048xf32> to vector<8x2047xf32>
    %concatenate3A = tpu.concatenate %slice3A, %broadcast_in_dim3A_18 in 1 : vector<8x2047xf32>, vector<8x1xf32> -> vector<8x2048xf32>
    %lt3A_19 = arith.cmpf olt, %concatenate3A, %select_n3A_16 : vector<8x2048xf32>
    %convert_element_type3A_20 = arith.extui %lt3A_19 : vector<8x2048xi1> to vector<8x2048xi32>
    %broadcast_in_dim3A_21 = arith.constant 1.000000e+30 : f32
    %broadcast_in_dim3A_22 = vector.broadcast %broadcast_in_dim3A_21 : f32 to vector<8x2xf32>
    %slice3A_23 = vector.extract_strided_slice %select_n3A_16 {offsets = [0, 2], sizes = [8, 2046], strides = [1, 1]} : vector<8x2048xf32> to vector<8x2046xf32>
    %concatenate3A_24 = tpu.concatenate %slice3A_23, %broadcast_in_dim3A_22 in 1 : vector<8x2046xf32>, vector<8x2xf32> -> vector<8x2048xf32>
    %lt3A_25 = arith.cmpf olt, %concatenate3A_24, %select_n3A_16 : vector<8x2048xf32>
    %convert_element_type3A_26 = arith.extui %lt3A_25 : vector<8x2048xi1> to vector<8x2048xi32>
    %add3A_27 = arith.addi %convert_element_type3A_20, %convert_element_type3A_26 : vector<8x2048xi32>
    %broadcast_in_dim3A_28 = arith.constant -1.000000e+30 : f32
    %broadcast_in_dim3A_29 = vector.broadcast %broadcast_in_dim3A_28 : f32 to vector<8x1xf32>
    %slice3A_30 = vector.extract_strided_slice %select_n3A_16 {offsets = [0, 0], sizes = [8, 2047], strides = [1, 1]} : vector<8x2048xf32> to vector<8x2047xf32>
    %concatenate3A_31 = tpu.concatenate %broadcast_in_dim3A_29, %slice3A_30 in 1 : vector<8x1xf32>, vector<8x2047xf32> -> vector<8x2048xf32>
    %gt3A = arith.cmpf ogt, %concatenate3A_31, %select_n3A_16 : vector<8x2048xf32>
    %convert_element_type3A_32 = arith.extui %gt3A : vector<8x2048xi1> to vector<8x2048xi32>
    %sub3A = arith.subi %add3A_27, %convert_element_type3A_32 : vector<8x2048xi32>
    %broadcast_in_dim3A_33 = arith.constant -1.000000e+30 : f32
    %broadcast_in_dim3A_34 = vector.broadcast %broadcast_in_dim3A_33 : f32 to vector<8x2xf32>
    %slice3A_35 = vector.extract_strided_slice %select_n3A_16 {offsets = [0, 0], sizes = [8, 2046], strides = [1, 1]} : vector<8x2048xf32> to vector<8x2046xf32>
    %concatenate3A_36 = tpu.concatenate %broadcast_in_dim3A_34, %slice3A_35 in 1 : vector<8x2xf32>, vector<8x2046xf32> -> vector<8x2048xf32>
    %gt3A_37 = arith.cmpf ogt, %concatenate3A_36, %select_n3A_16 : vector<8x2048xf32>
    %convert_element_type3A_38 = arith.extui %gt3A_37 : vector<8x2048xi1> to vector<8x2048xi32>
    %sub3A_39 = arith.subi %sub3A, %convert_element_type3A_38 : vector<8x2048xi32>
    %lt3A_40 = arith.constant 1.500000e-01 : f32
    %lt3A_41 = vector.broadcast %lt3A_40 : f32 to vector<8x2048xf32>
    %lt3A_42 = arith.cmpf olt, %get3A_4, %lt3A_41 : vector<8x2048xf32>
    %not3A = arith.constant dense<true> : vector<8x2048xi1>
    %not3A_43 = arith.xori %lt3A_9, %not3A : vector<8x2048xi1>
    %and3A = arith.andi %lt3A_42, %not3A_43 : vector<8x2048xi1>
    %jit3A_44 = arith.constant 4 : i32
    %broadcast_in_dim3A_45 = vector.broadcast %jit3A_44 : i32 to vector<8x2048xi32>
    %select_n3A_46 = arith.select %and3A, %broadcast_in_dim3A_45, %get3A_1 : vector<8x2048xi1>, vector<8x2048xi32>
    %broadcast_in_dim3A_47 = arith.constant 0 : i32
    %broadcast_in_dim3A_48 = vector.broadcast %broadcast_in_dim3A_47 : i32 to vector<8x2048xi32>
    %broadcast_in_dim3A_49 = arith.constant 99 : i32
    %broadcast_in_dim3A_50 = vector.broadcast %broadcast_in_dim3A_49 : i32 to vector<8x2xi32>
    %slice3A_51 = vector.extract_strided_slice %sub3A_39 {offsets = [0, 2], sizes = [8, 2046], strides = [1, 1]} : vector<8x2048xi32> to vector<8x2046xi32>
    %concatenate3A_52 = tpu.concatenate %slice3A_51, %broadcast_in_dim3A_50 in 1 : vector<8x2046xi32>, vector<8x2xi32> -> vector<8x2048xi32>
    %eq3A_53 = arith.constant -2 : i32
    %eq3A_54 = vector.broadcast %eq3A_53 : i32 to vector<8x2048xi32>
    %eq3A_55 = arith.cmpi eq, %concatenate3A_52, %eq3A_54 : vector<8x2048xi32>
    %broadcast_in_dim3A_56 = arith.constant 0 : i32
    %broadcast_in_dim3A_57 = vector.broadcast %broadcast_in_dim3A_56 : i32 to vector<8x2xi32>
    %slice3A_58 = vector.extract_strided_slice %select_n3A_46 {offsets = [0, 2], sizes = [8, 2046], strides = [1, 1]} : vector<8x2048xi32> to vector<8x2046xi32>
    %concatenate3A_59 = tpu.concatenate %slice3A_58, %broadcast_in_dim3A_57 in 1 : vector<8x2046xi32>, vector<8x2xi32> -> vector<8x2048xi32>
    %jit3A_60 = arith.constant 0 : i32
    %broadcast_in_dim3A_61 = vector.broadcast %jit3A_60 : i32 to vector<8x2048xi32>
    %select_n3A_62 = arith.select %eq3A_55, %concatenate3A_59, %broadcast_in_dim3A_61 : vector<8x2048xi1>, vector<8x2048xi32>
    %add3A_63 = arith.addi %broadcast_in_dim3A_48, %select_n3A_62 : vector<8x2048xi32>
    %broadcast_in_dim3A_64 = arith.constant 99 : i32
    %broadcast_in_dim3A_65 = vector.broadcast %broadcast_in_dim3A_64 : i32 to vector<8x1xi32>
    %slice3A_66 = vector.extract_strided_slice %sub3A_39 {offsets = [0, 1], sizes = [8, 2047], strides = [1, 1]} : vector<8x2048xi32> to vector<8x2047xi32>
    %concatenate3A_67 = tpu.concatenate %slice3A_66, %broadcast_in_dim3A_65 in 1 : vector<8x2047xi32>, vector<8x1xi32> -> vector<8x2048xi32>
    %eq3A_68 = arith.constant -1 : i32
    %eq3A_69 = vector.broadcast %eq3A_68 : i32 to vector<8x2048xi32>
    %eq3A_70 = arith.cmpi eq, %concatenate3A_67, %eq3A_69 : vector<8x2048xi32>
    %broadcast_in_dim3A_71 = arith.constant 0 : i32
    %broadcast_in_dim3A_72 = vector.broadcast %broadcast_in_dim3A_71 : i32 to vector<8x1xi32>
    %slice3A_73 = vector.extract_strided_slice %select_n3A_46 {offsets = [0, 1], sizes = [8, 2047], strides = [1, 1]} : vector<8x2048xi32> to vector<8x2047xi32>
    %concatenate3A_74 = tpu.concatenate %slice3A_73, %broadcast_in_dim3A_72 in 1 : vector<8x2047xi32>, vector<8x1xi32> -> vector<8x2048xi32>
    %jit3A_75 = arith.constant 0 : i32
    %broadcast_in_dim3A_76 = vector.broadcast %jit3A_75 : i32 to vector<8x2048xi32>
    %select_n3A_77 = arith.select %eq3A_70, %concatenate3A_74, %broadcast_in_dim3A_76 : vector<8x2048xi1>, vector<8x2048xi32>
    %add3A_78 = arith.addi %add3A_63, %select_n3A_77 : vector<8x2048xi32>
    %eq3A_79 = arith.constant 0 : i32
    %eq3A_80 = vector.broadcast %eq3A_79 : i32 to vector<8x2048xi32>
    %eq3A_81 = arith.cmpi eq, %sub3A_39, %eq3A_80 : vector<8x2048xi32>
    %jit3A_82 = arith.constant 0 : i32
    %broadcast_in_dim3A_83 = vector.broadcast %jit3A_82 : i32 to vector<8x2048xi32>
    %select_n3A_84 = arith.select %eq3A_81, %select_n3A_46, %broadcast_in_dim3A_83 : vector<8x2048xi1>, vector<8x2048xi32>
    %add3A_85 = arith.addi %add3A_78, %select_n3A_84 : vector<8x2048xi32>
    %broadcast_in_dim3A_86 = arith.constant 99 : i32
    %broadcast_in_dim3A_87 = vector.broadcast %broadcast_in_dim3A_86 : i32 to vector<8x1xi32>
    %slice3A_88 = vector.extract_strided_slice %sub3A_39 {offsets = [0, 0], sizes = [8, 2047], strides = [1, 1]} : vector<8x2048xi32> to vector<8x2047xi32>
    %concatenate3A_89 = tpu.concatenate %broadcast_in_dim3A_87, %slice3A_88 in 1 : vector<8x1xi32>, vector<8x2047xi32> -> vector<8x2048xi32>
    %eq3A_90 = arith.constant 1 : i32
    %eq3A_91 = vector.broadcast %eq3A_90 : i32 to vector<8x2048xi32>
    %eq3A_92 = arith.cmpi eq, %concatenate3A_89, %eq3A_91 : vector<8x2048xi32>
    %broadcast_in_dim3A_93 = arith.constant 0 : i32
    %broadcast_in_dim3A_94 = vector.broadcast %broadcast_in_dim3A_93 : i32 to vector<8x1xi32>
    %slice3A_95 = vector.extract_strided_slice %select_n3A_46 {offsets = [0, 0], sizes = [8, 2047], strides = [1, 1]} : vector<8x2048xi32> to vector<8x2047xi32>
    %concatenate3A_96 = tpu.concatenate %broadcast_in_dim3A_94, %slice3A_95 in 1 : vector<8x1xi32>, vector<8x2047xi32> -> vector<8x2048xi32>
    %jit3A_97 = arith.constant 0 : i32
    %broadcast_in_dim3A_98 = vector.broadcast %jit3A_97 : i32 to vector<8x2048xi32>
    %select_n3A_99 = arith.select %eq3A_92, %concatenate3A_96, %broadcast_in_dim3A_98 : vector<8x2048xi1>, vector<8x2048xi32>
    %add3A_100 = arith.addi %add3A_85, %select_n3A_99 : vector<8x2048xi32>
    %broadcast_in_dim3A_101 = arith.constant 99 : i32
    %broadcast_in_dim3A_102 = vector.broadcast %broadcast_in_dim3A_101 : i32 to vector<8x2xi32>
    %slice3A_103 = vector.extract_strided_slice %sub3A_39 {offsets = [0, 0], sizes = [8, 2046], strides = [1, 1]} : vector<8x2048xi32> to vector<8x2046xi32>
    %concatenate3A_104 = tpu.concatenate %broadcast_in_dim3A_102, %slice3A_103 in 1 : vector<8x2xi32>, vector<8x2046xi32> -> vector<8x2048xi32>
    %eq3A_105 = arith.constant 2 : i32
    %eq3A_106 = vector.broadcast %eq3A_105 : i32 to vector<8x2048xi32>
    %eq3A_107 = arith.cmpi eq, %concatenate3A_104, %eq3A_106 : vector<8x2048xi32>
    %broadcast_in_dim3A_108 = arith.constant 0 : i32
    %broadcast_in_dim3A_109 = vector.broadcast %broadcast_in_dim3A_108 : i32 to vector<8x2xi32>
    %slice3A_110 = vector.extract_strided_slice %select_n3A_46 {offsets = [0, 0], sizes = [8, 2046], strides = [1, 1]} : vector<8x2048xi32> to vector<8x2046xi32>
    %concatenate3A_111 = tpu.concatenate %broadcast_in_dim3A_109, %slice3A_110 in 1 : vector<8x2xi32>, vector<8x2046xi32> -> vector<8x2048xi32>
    %jit3A_112 = arith.constant 0 : i32
    %broadcast_in_dim3A_113 = vector.broadcast %jit3A_112 : i32 to vector<8x2048xi32>
    %select_n3A_114 = arith.select %eq3A_107, %concatenate3A_111, %broadcast_in_dim3A_113 : vector<8x2048xi1>, vector<8x2048xi32>
    %add3A_115 = arith.addi %add3A_100, %select_n3A_114 : vector<8x2048xi32>
    %swap3A = arith.constant 0 : index
    %swap3A_116 = arith.constant 0 : index
    %swap3A_117 = vector.load %arg4[%swap3A, %swap3A_116] : memref<8x2048xi32, #tpu.memory_space<vmem>>, vector<8x2048xi32>
    tpu.vector_store %arg4[%swap3A, %swap3A_116], %add3A_115 {strides = array<i32>} : memref<8x2048xi32, #tpu.memory_space<vmem>>, vector<8x2048xi32>,
    return
  }
  func.func @transform_0(%arg0: i32) -> (i32, i32) {
    %add3A = arith.constant 64 : i32
    %add3A_0 = arith.addi %add3A, %arg0 : i32
    %c0_i32 = arith.constant 0 : i32
    %c0_i32_1 = arith.constant 0 : i32
    return %add3A_0, %c0_i32 : i32, i32
  }
  func.func @transform_1(%arg0: i32) -> (i32, i32) {
    %add3A = arith.constant 64 : i32
    %add3A_0 = arith.addi %add3A, %arg0 : i32
    %c0_i32 = arith.constant 0 : i32
    %c0_i32_1 = arith.constant 0 : i32
    return %add3A_0, %c0_i32 : i32, i32
  }
  func.func @transform_2(%arg0: i32) -> (i32, i32) {
    %add3A = arith.constant 64 : i32
    %add3A_0 = arith.addi %add3A, %arg0 : i32
    %c0_i32 = arith.constant 0 : i32
    %c0_i32_1 = arith.constant 0 : i32
    return %add3A_0, %c0_i32 : i32, i32
  }
  func.func @transform_3(%arg0: i32) -> (i32, i32) {
    %c0_i32 = arith.constant 0 : i32
    %c0_i32_0 = arith.constant 0 : i32
    return %arg0, %c0_i32 : i32, i32
  }
}

</mosaic_0001>

<sc_bundles>
// kernel: kernel.4.cloned.1.call-start
scs
__scs_entry_jumppad:
0x0: {  	(pc) =	sbr.rel $0x88, $3  }
0x1: {  	(tag) =	ssettag $0x0;
	lr =	simm.s32 $0x1  }
0x2: {  	[smem:$0x3F9E] =	sst lr;
	_ =	strace $0xD0000000  }
0x3: {  	_ = 	snop  }
0x4: {  	_ = 	snop  }
0x5: {  	_ = 	snop  }
0x6: {  	_ = 	snop  }
0x7: {  	_ = 	snop  }
__scs_overlays_trampoline_lowered:
0x8: {  	[smem:$0x3FAD] =	sst s0  }
0x9: {  	[smem:$0x3FAE] =	sst s1  }
0xa: {  	[smem:$0x3FAF] =	sst s2  }
0xb: {  	[smem:$0x3FB0] =	sst s3  }
0xc: {  	[smem:$0x3FB1] =	sst s4  }
0xd: {  	[smem:$0x3FB2] =	sst s5  }
0xe: {  	[smem:$0x3FB3] =	sst s6  }
0xf: {  	[smem:$0x3FB4] =	sst s7  }
0x10: {  	[smem:$0x3FB5] =	sst s8  }
0x11: {  	[smem:$0x3FB6] =	sst s9;
	s0 =	simm.s32 @!p0 $0x0  }
0x12: {  	s1 =	sld [smem:$0x3F9C];
	s0 =	simm.s32 @p0 $0x1  }
0x13: {  	[smem:$0x3FB7] =	sst s0;
	s0 =	simm.s32 @!p1 $0x0  }
0x14: {  	s2 =	sld [smem:$0x3F9B];
	s0 =	simm.s32 @p1 $0x1  }
0x15: {  	[smem:$0x3FB8] =	sst s0;
	s0 =	simm.s32 @!p2 $0x0  }
0x16: {  	s3 =	sld [smem:$0x3FDB];
	s0 =	simm.s32 @p2 $0x1  }
0x17: {  	s4 =	simm.s32 $0x1BF5;
	[smem:$0x3FBA] =	sst s0  }
0x18: {  	s0 =	sld [smem:$0x3F9D];
	_ =	swait.ge [sflag:s4], $0x0  }
0x19: {  	s7 =	sld [smem:$0x3F9E]  }
0x1a: {  	s8 =	sadd.s32 $0xFFFFE003, lr  }
0x1b: {  	s9 =	sadd.s32 $0xFFFFFEF7, lr;
	s5 =	simm.s32 $0xFFFFFFFF;
	p2 =	slt.u32 s8, $0xFFFFF086  }
0x1c: {  	p1 =	slt.u32 s9, $0xF7A;
	s5 =	simm.s32 @!p2 $0x0  }
0x1d: {  	s5 =	simm.s32 @p1 $0x1;
	p0 =	seq.s32 s7, s2  }
0x1e: {  	s7 =	smul.u32 @!p0 $0xF7A, s2;
	p2 =	seq.s32 @!p0 s5, $0x0  }
0x1f: {  	s9 =	smul.u32 $0xF7A, s1;
	s8 =	simm.s32 @!p0 $0x1BF5;
	p2 =	por !p2, p0  }
0x20: {  	[sflag:s8] =	ssyncset.s32 @!p0 $0xFFFFF086;
	s6 =	sadd.s32 @!p0 s3, s7;
	s7 =	simm.s32 @!p0 $0x108  }
0x21: {  	s3 =	sadd.s32 s3, s9;
	s6 =	sadd.s32 @!p0 $0x88, s6;
	s7 =	simm.s32 @p2 $0x1082  }
0x22: {  	[simem:s7], [sflag:s8] =	dma.local @!p0 [hbm:s6], $0xF7A  }
0x23: {  	s9 =	sor.u32 $0xD0000000, s2;
	s6 =	simm.s32 $0x108;
	_ =	swait.ge @!p0 [sflag:s8], $0x0  }
0x24: {  	s3 =	sadd.s32 $0x88, s3;
	s6 =	simm.s32 @!p1 $0x1082;
	[sflag:s4] =	ssyncset.s32 $0xFFFFF086  }
0x25: {  	[simem:s6], [sflag:s4] =	dma.local [hbm:s3], $0xF7A  }
0x26: {  	[smem:$0x3F9E] =	sst s1;
	(tag) =	ssettag s2;
	_ =	strace s9  }
0x27: {  	s1 =	sld [smem:$0x3FAE]  }
0x28: {  	s2 =	sld [smem:$0x3FAF]  }
0x29: {  	s4 =	sld [smem:$0x3FB1]  }
0x2a: {  	p0 =	seq.s32 s5, $0x0;
	s5 =	sld [smem:$0x3FB2]  }
0x2b: {  	s6 =	sld [smem:$0x3FB3]  }
0x2c: {  	s7 =	sld [smem:$0x3FB4]  }
0x2d: {  	s3 =	simm.s32 $0x108;
	s8 =	sld [smem:$0x3FB5]  }
0x2e: {  	s3 =	simm.s32 @!p0 $0x1082;
	s9 =	sld [smem:$0x3FB6]  }
0x2f: {  	lr =	sadd.s32 s0, s3;
	s0 =	sld [smem:$0x3FAD]  }
0x30: {  	s3 =	sld [smem:$0x3FB0]  }
0x31: {  	[smem:$0x3FB9] =	sst s10  }
0x32: {  	s10 =	sld [smem:$0x3FB7];
	_ =	sdelay $0x3  }
0x33: {  	p0 =	seq.s32 s10, $0x1;
	s10 =	sld [smem:$0x3FB9];
	_ =	sdelay $0x3  }
0x34: {  	[smem:$0x3FB9] =	sst s10  }
0x35: {  	s10 =	sld [smem:$0x3FB8];
	_ =	sdelay $0x3  }
0x36: {  	p1 =	seq.s32 s10, $0x1;
	s10 =	sld [smem:$0x3FB9];
	_ =	sdelay $0x3  }
0x37: {  	[smem:$0x3FB9] =	sst s10  }
0x38: {  	s10 =	sld [smem:$0x3FBA]  }
0x39: {  	_ = 	snop;
	(pc) =	sbr.ind lr, $3  }
0x3a: {  	_ = 	snop  }
0x3b: {  	_ = 	snop  }
0x3c: {  	p2 =	seq.s32 s10, $0x1;
	s10 =	sld [smem:$0x3FB9]  }
0x3d: {  	_ =	shalt  }
0x3e: {  	_ =	shalt  }
0x3f: {  	_ =	shalt  }
0x40: {  	_ =	shalt  }
0x41: {  	_ =	shalt  }
0x42: {  	_ =	shalt  }
0x43: {  	_ =	shalt  }
0x44: {  	_ =	shalt  }
0x45: {  	_ =	shalt  }
0x46: {  	_ =	shalt  }
0x47: {  	_ =	shalt  }
0x48: {  	_ =	shalt  }
0x49: {  	_ =	shalt  }
0x4a: {  	_ =	shalt  }
0x4b: {  	_ =	shalt  }
0x4c: {  	_ =	shalt  }
0x4d: {  	_ =	shalt  }
0x4e: {  	_ =	shalt  }
0x4f: {  	_ =	shalt  }
0x50: {  	_ =	shalt  }
0x51: {  	_ =	shalt  }
0x52: {  	_ =	shalt  }
0x53: {  	_ =	shalt  }
0x54: {  	_ =	shalt  }
0x55: {  	_ =	shalt  }
0x56: {  	_ =	shalt  }
0x57: {  	_ =	shalt  }
0x58: {  	_ =	shalt  }
0x59: {  	_ =	shalt  }
0x5a: {  	_ =	shalt  }
0x5b: {  	_ =	shalt  }
0x5c: {  	_ =	shalt  }
0x5d: {  	_ =	shalt  }
0x5e: {  	_ =	shalt  }
0x5f: {  	_ =	shalt  }
0x60: {  	_ =	shalt  }
0x61: {  	_ =	shalt  }
0x62: {  	_ =	shalt  }
0x63: {  	_ =	shalt  }
0x64: {  	_ =	shalt  }
0x65: {  	_ =	shalt  }
0x66: {  	_ =	shalt  }
0x67: {  	_ =	shalt  }
0x68: {  	_ =	shalt  }
0x69: {  	_ =	shalt  }
0x6a: {  	_ =	shalt  }
0x6b: {  	_ =	shalt  }
0x6c: {  	_ =	shalt  }
0x6d: {  	_ =	shalt  }
0x6e: {  	_ =	shalt  }
0x6f: {  	_ =	shalt  }
0x70: {  	_ =	shalt  }
0x71: {  	_ =	shalt  }
0x72: {  	_ =	shalt  }
0x73: {  	_ =	shalt  }
0x74: {  	_ =	shalt  }
0x75: {  	_ =	shalt  }
0x76: {  	_ =	shalt  }
0x77: {  	_ =	shalt  }
0x78: {  	_ =	shalt  }
0x79: {  	_ =	shalt  }
0x7a: {  	_ =	shalt  }
0x7b: {  	_ =	shalt  }
0x7c: {  	_ =	shalt  }
0x7d: {  	_ =	shalt  }
0x7e: {  	_ =	shalt  }
0x7f: {  	_ =	shalt  }
0x80: {  	_ =	shalt  }
0x81: {  	_ =	shalt  }
0x82: {  	_ =	shalt  }
0x83: {  	_ =	shalt  }
0x84: {  	_ =	shalt  }
0x85: {  	_ =	shalt  }
0x86: {  	_ =	shalt  }
0x87: {  	_ =	shalt  }
.Lfunc_end0:
.L_simem_size_0:
called_computation_lowered:
.L_overlay_start_0:
0x88: {  	s2 =	sld [smem:$0x3FD9]  }
0x89: {  	s3 =	sld [smem:$0x3FFE];
	_ =	sdelay $0x1  }
0x8a: {  	s1 =	srdreg.scid  }
0x8b: {  	s0 =	sand.u32 $0x1, s1  }
0x8c: {  	s17 =	sshll.u32 s0, $0xA;
	s2 =	sadd.s32 s3, s2  }
0x8d: {  	s2 =	sadd.s32 s2, s17  }
0x8e: {  	[smem:$0x3FC5] =	sst s2  }
0x8f: {  	_ = 	snop  }
0x90: {  	s2 =	sld [smem:$0x3FC9]  }
0x91: {  	s18 =	sld [smem:$0x3FC8]  }
0x92: {  	s4 =	sld [smem:$0x3FC7];
	(tm) =	ssettm $0x1  }
0x93: {  	s5 =	sld [smem:$0x3FFB];
	_ =	sdelay $0x3  }
0x94: {  	_ =	strace s5  }
0x95: {  	s5 =	sld [smem:$0x3FFC];
	_ =	sdelay $0x3  }
0x96: {  	_ =	strace s5  }
0x97: {  	s5 =	sld [smem:$0x3FFD];
	_ =	sdelay $0x3  }
0x98: {  	_ =	strace s5  }
0x99: {  	_ =	strace $0x8FFFFFFF  }
0x9a: {  	s19 =	sld [smem:$0x3FDB];
	_ =	sdelay $0x1  }
0x9b: {  	s6 =	simm.s32 $_scs_section_size  }
0x9c: {  	s7 =	simm.s32 $_size__tile_overlayer_lowered;
	s8 =	simm.s32 $_tile_overlayer_lowered  }
0x9d: {  	s22 =	simm.s32 $0x1BFF;
	s21 =	sshll.u32 s8, $0x1;
	s5 =	sadd.s32 s6, s19  }
0x9e: {  	s9 =	simm.s32 $0x0;
	s20 =	sshll.u32 s7, $0x1;
	s7 =	sadd.s32 s21, s5  }
0x9f: {  	[timem:s9], [sflag:s22] =	dma.local [hbm:s7], s20  }
0xa0: {  	_ =	swait.ge [sflag:s22], s20  }
0xa1: {  	s6 =	ssub.s32 $0x0, s20;
	[sflag:s22] =	ssyncset.done $0x0  }
0xa2: {  	[sflag:s22] =	ssyncadd.s32 s6;
	_ =	sdelay $0x1  }
0xa3: {  	s23 =	simm.s32 $0x1B8B  }
0xa4: {  	_ =	swait.ge [sflag:s23], $0x1  }
0xa5: {  	[sflag:s23] =	ssyncset.done $0x0  }
0xa6: {  	s25 =	simm.s32 $0x1B8E;
	s24 =	sld [smem:$0x3FFE];
	[sflag:s23] =	ssyncadd.s32 $0xFFFFFFFF  }
0xa7: {  	s26 =	simm.s32 $execute0_lowered;
	[smem:$0x3FD2] =	sst s25  }
0xa8: {  	s7 =	sshll.u32 s26, $0x1;
	_ =	strace $0x80000046;
	[dreg:$0x1] =	wrdreg $0xFFFFFFFF  }
0xa9: {  	s28 =	simm.s32 $_size_execute0_lowered;
	s5 =	sadd.s32 s5, s7;
	[dreg:$0x0] =	wrdreg $0x0  }
0xaa: {  	s7 =	sshll.u32 s28, $0x1;
	[dreg:$0x2] =	wrdreg s5  }
0xab: {  	[dreg:$0x3] =	wrdreg s7  }
0xac: {  	[dreg:$0x4] =	wrdreg $0xC0  }
0xad: {  	_ =	task [dreg:s9], $0x5FFFF  }
0xae: {  	[dreg:$0x1] =	wrdreg $0xFFFFFFFF  }
0xaf: {  	[dreg:$0x0] =	wrdreg $0x60  }
0xb0: {  	[dreg:$0x2] =	wrdreg s2  }
0xb1: {  	[dreg:$0x3] =	wrdreg s18  }
0xb2: {  	[dreg:$0x4] =	wrdreg s4  }
0xb3: {  	[dreg:$0x5] =	wrdreg s24  }
0xb4: {  	[dreg:$0x6] =	wrdreg $0x9  }
0xb5: {  	_ =	task.clear_ibuf [dreg:s9], $0x7FFFF;
	_ =	strace $0x90000046  }
0xb6: {  	s29 =	simm.s32 $0x9;
	_ =	strace $0x80000048  }
0xb7: {  	_ =	swait.ge [sflag:s29], $0x1  }
0xb8: {  	[sflag:s29] =	ssyncadd.s32 $0xFFFFFFFF  }
0xb9: {  	_ =	strace $0x90000048  }
0xba: {  	_ =	sfence  }
0xbb: {  	s30 =	sld [smem:$0x0];
	_ =	sdelay $0x2  }
0xbc: {  	s31 =	sshll.u32 s1, $0xD;
	s1 =	sshrl.u32 s1, $0x2  }
0xbd: {  	s3 =	sand.u32 $0x4000, s31;
	s1 =	sadd.s32 s1, s30  }
0xbe: {  	s0 =	sor.u32 s3, s0;
	s1 =	sshll.u32 s1, $0x11  }
0xbf: {  	s0 =	sor.u32 s1, s0  }
0xc0: {  	s0 =	sadd.s32 $0x8F2B, s0  }
0xc1: {  	[sflag:s0] =	ssyncadd.remote.s32 $0x1  }
0xc2: {  	_ =	sfence.sel $0xFFFF  }
0xc3: {  	[dreg:$0x0] =	wrdreg $0xFFFFFFFF;
	(pc) =	sbr.abs _section_cstart, $3  }
0xc4: {  	[dreg:$0x1] =	wrdreg $0xFFFFFFFF  }
0xc5: {  	_ =	task.clear_ibuf [dreg:s9], $0x2FFFF;
	_ =	strace $0x9FFFFFFF  }
0xc6: {  	(tm) =	ssettm $0x7FFFFFFF  }
0xc7: {  	_ =	shalt  }
tec
execute0_lowered:
.L_overlay_start_1:
0x0: {  	(tag) =	ssettag $0x1  }
0x1: {  	s1 =	rddreg [dreg:$0x0]  }
0x2: {  	s2 =	rddreg [dreg:$0x1]  }
0x3: {  	s3 =	rddreg [dreg:$0x2]  }
0x4: {  	s0 =	rddreg [dreg:$0x3];
	s5 =	simm.s32 $0x0;
	s4 =	srdreg.scid  }
0x5: {  	s6 =	stileid.u32;
	s28 =	simm.s32 $0x1;
	s29 =	simm.s32 $0x6000  }
0x6: {  	s30 =	simm.s32 $0x2;
	s31 =	simm.s32 $0xE000;
	[smem:$0x7FF] =	sst s5  }
0x7: {  	s4 =	sand.u32 $0x1, s4;
	s6 =	sshll.u32 s6, $0x5;
	s17 =	sadd.s32 $0x800, s0  }
0x8: {  	s16 =	ssub.s32 $0x2, s4;
	s4 =	sshll.u32 s4, $0x4;
	_ =	strace $0x80000047  }
0x9: {  	s14 =	smov.u32 s17;
	s7 =	sshrl.u32 s16, $0x1;
	s4 =	sor.u32 s4, s6  }
0xa: {  	s18 =	ssub.s32 s16, s7;
	s19 =	sshll.u32 s4, $0x8;
	s4 =	sshrl.u32 s4, $0x3  }
0xb: {  	s20 =	sadd.s32 s1, s19;
	s21 =	sadd.s32 s2, s19;
	[dreg:$0xb] =	wrdreg s4  }
0xc: {  	s22 =	sor.u32 $0x40, s19;
	s8 =	sadd.s32 s3, s19;
	[dreg:$0x5] =	wrdreg s20  }
0xd: {  	s25 =	sor.u32 $0x800, s19;
	s26 =	sadd.s32 s19, s17;
	[dreg:$0x6] =	wrdreg s21  }
0xe: {  	s0 =	smax.u32 s18, $0x1;
	s19 =	sor.u32 $0xC00, s19;
	[dreg:$0x7] =	wrdreg s8  }
0xf: {  	s23 =	sadd.s32 s1, s22;
	s24 =	sadd.s32 s2, s22;
	[dreg:$0xd] =	wrdreg s0  }
0x10: {  	s7 =	sadd.s32 s3, s22;
	s1 =	sadd.s32 s1, s25;
	[dreg:$0x8] =	wrdreg s23  }
0x11: {  	s15 =	sadd.s32 s2, s25;
	s16 =	sadd.s32 s3, s25;
	[dreg:$0x9] =	wrdreg s24  }
0x12: {  	v0 =	vimm.f32 $-1.000000020e+30;
	s17 =	sadd.s32 $0x40, s26;
	s20 =	simm.s32 $0x200;
	[dreg:$0xa] =	wrdreg s7  }
0x13: {  	v1 =	vimm.f32 $1.000000020e+30;
	v2 =	vlaneseq.u32;
	v3 =	vimm.s32 $0x0;
	s21 =	simm.s32 $0x400;
	s2 =	simm.s32 $0x0;
	[dreg:$0xc] =	wrdreg s1  }
.LBB2_1:
0x14: {  	[dreg:$0xe] =	wrdreg s2  }
0x15: {  	s1 =	rddreg [dreg:$0x5]  }
0x16: {  	s0 =	simm.s32 $0x0;
	s10 =	rddreg [dreg:$0x6]  }
0x17: {  	[tilespmem:s0], [sflag:$0x1] =	stream.strided.gather [hbm4b:s1+s20], $0x2000, s21, s20, $0x38;
	[tilespmem:$0x10880] =	vst v63  }
0x18: {  	s11 =	simm.s32 $0x2000;
	s12 =	rddreg [dreg:$0x7]  }
0x19: {  	[tilespmem:s11], [sflag:$0x1] =	stream.strided.gather [hbm4b:s10+s20], $0x2000, s21, s20, $0x38;
	[tilespmem:$0x10880] =	vst v63  }
0x1a: {  	s13 =	simm.s32 $0x4000;
	s18 =	rddreg [dreg:$0x8]  }
0x1b: {  	[tilespmem:s13], [sflag:$0x1] =	stream.strided.gather [hbm4b:s12+s20], $0x2000, s21, s20, $0x38;
	[tilespmem:$0x10880] =	vst v63  }
0x1c: {  	s22 =	simm.s32 $0x8000;
	s23 =	rddreg [dreg:$0x9]  }
0x1d: {  	[tilespmem:s22], [sflag:$0x2] =	stream.strided.gather [hbm4b:s18+s20], $0x2000, s21, s20, $0x38;
	[tilespmem:$0x10880] =	vst v63  }
0x1e: {  	s24 =	simm.s32 $0xA000;
	s25 =	rddreg [dreg:$0xa];
	s26 =	simm.s32 $0xC000  }
0x1f: {  	[tilespmem:s24], [sflag:$0x2] =	stream.strided.gather [hbm4b:s23+s20], $0x2000, s21, s20, $0x38;
	[tilespmem:$0x10880] =	vst v63  }
0x20: {  	p1 =	por $0x1, $0x1;
	p0 =	por $0x0, $0x0;
	s23 =	simm.s32 $0x0  }
0x21: {  	[tilespmem:s26], [sflag:$0x2] =	stream.strided.gather [hbm4b:s25+s20], $0x2000, s21, s20, $0x38;
	[tilespmem:$0x10880] =	vst v63  }
.LBB2_2:
0x22: {  	_ =	swait.ge [sflag:s28], $0x2000  }
0x23: {  	[sflag:s28] =	ssyncset.done $0x0  }
0x24: {  	[sflag:s28] =	ssyncadd.s32 $0xFFFFE000  }
0x25: {  	_ =	swait.ge [sflag:s28], $0x2000  }
0x26: {  	[sflag:s28] =	ssyncset.done $0x0  }
0x27: {  	[sflag:s28] =	ssyncadd.s32 $0xFFFFE000  }
0x28: {  	_ =	swait.ge [sflag:s28], $0x2000  }
0x29: {  	[sflag:s28] =	ssyncset.done $0x0  }
0x2a: {  	s0 =	simm.s32 @p0 $0x3;
	[sflag:s28] =	ssyncadd.s32 $0xFFFFE000  }
0x2b: {  	_ =	swait.ge @p0 [sflag:s0], $0x2000  }
0x2c: {  	s25 =	simm.s32 $0x0;
	s1 =	rddreg [dreg:$0xb];
	[sflag:s0] =	ssyncset.done @p0 $0x0  }
0x2d: {  	s26 =	simm.s32 $0x0;
	s24 =	sor.u32 s1, s23;
	[sflag:s0] =	ssyncadd.s32 @p0 $0xFFFFE000  }
.LBB2_3:
0x2e: {  	s4 =	simm.s32 $0x0  }
0x2f: {  	s5 =	sshll.u32 s26, $0x7;
	s8 =	simm.s32 $0x10;
	s7 =	sand.u32 $0x40, s4  }
0x30: {  	[tilespmem:$0x10000] =	vst v0;
	s9 =	sand.u32 $0x1E00, s25;
	s10 =	sand.u32 $0x50, s8;
	s7 =	sor.u32 s7, s5  }
0x31: {  	[tilespmem:$0x10802] =	vst v1;
	s0 =	simm.s32 $0x30;
	s10 =	sor.u32 s10, s5;
	s7 =	sor.u32 s9, s7  }
0x32: {  	s11 =	simm.s32 $0x20;
	s18 =	sand.u32 $0x70, s0;
	s10 =	sor.u32 s9, s10;
	v4 =	vld [tilespmem:s7+$0x4000]  }
0x33: {  	s12 =	sand.u32 $0x60, s11;
	v7 =	vor.u32 s8, v2;
	s8 =	sor.u32 s18, s5;
	v6 =	vld [tilespmem:s10+$0x4000]  }
0x34: {  	v5 =	vor.u32 s0, v2;
	s12 =	sor.u32 s12, s5;
	s0 =	sor.u32 s9, s8;
	v8 =	vld [tilespmem:s7+$0x0]  }
0x35: {  	s12 =	sor.u32 s9, s12;
	v14 =	vld [tilespmem:s0+$0x4000]  }
0x36: {  	v10 =	vor.u32 s11, v2;
	v18 =	vmov s4;
	v11 =	vcvt.s32.f32 v5;
	v9 =	vld [tilespmem:s12+$0x4000]  }
0x37: {  	s13 =	simm.s32 $0x50;
	v7 =	vcvt.s32.f32 v7;
	v5 =	vor.u32 s4, v2;
	v10 =	vcvt.s32.f32 v10  }
0x38: {  	s11 =	simm.s32 $0x70;
	v12 =	vcvt.s32.f32 v5;
	s9 =	simm.s32 $0x40;
	v5 =	vor.u32 s13, v2;
	v15 =	vld [tilespmem:s10+$0x0];
	v13 =	vmul.f32 $3.000000000e+00, v4  }
0x39: {  	s1 =	simm.s32 $0x60;
	s18 =	sand.u32 $0x40, s9;
	s7 =	simm.s32 $0x100;
	v5 =	vcvt.s32.f32 v5;
	v17 =	vld [tilespmem:s0+$0x0];
	v4 =	vor.u32 s11, v2;
	v16 =	vmul.f32 $3.000000000e+00, v6  }
0x3a: {  	s3 =	sand.u32 $0x50, s13;
	s22 =	sand.u32 $0x1E00, s7;
	s2 =	sor.u32 s18, s5;
	v6 =	vor.u32 s1, v2;
	v14 =	vmul.f32 $3.000000000e+00, v14;
	v12 =	vadd.f32 v12, v13;
	v13 =	vld [tilespmem:s12+$0x0]  }
0x3b: {  	s13 =	sand.u32 $0x60, s1;
	s10 =	sor.u32 s3, s5;
	s6 =	sor.u32 s22, s2;
	vm0 =	vlt.s32 v8, $0x3;
	v19 =	vmul.f32 $3.000000000e+00, v9;
	v4 =	vcvt.s32.f32 v4  }
0x3c: {  	s4 =	sor.u32 s13, s5;
	s0 =	sor.u32 s22, s10;
	v8 =	vld [tilespmem:s6+$0x4000];
	v6 =	vcvt.s32.f32 v6;
	v16 =	vadd.f32 v7, v16;
	v7 =	vadd.f32 v11, v14  }
0x3d: {  	s18 =	sand.u32 $0x70, s11;
	s4 =	sor.u32 s22, s4;
	v9 =	vld [tilespmem:s0+$0x4000];
	v14 =	vor.u32 s9, v2;
	v12 =	vsel vm0, $0x45004000, v12;
	vm0 =	veq.s32 v18, v2  }
0x3e: {  	s8 =	simm.s32 $0x0;
	s10 =	simm.s32 $0x4;
	s11 =	sor.u32 s18, s5;
	v11 =	vld [tilespmem:s4+$0x4000];
	v18 =	vsel vm0, $0xBF800000, v12;
	vm0 =	vlt.s32 v15, $0x3;
	v12 =	vadd.f32 v10, v19  }
0x3f: {  	s18 =	sor.u32 s22, s11;
	s11 =	simm.s32 $0xB0;
	s12 =	simm.s32 $0x100;
	v10 =	vld [tilespmem:s6+$0x0];
	[tilespmem:s8+$0x10002] =	vst v18;
	vm1 =	vlt.s32 v13, $0x3;
	v13 =	vsel vm0, $0x45004000, v16;
	vm0 =	vlt.s32 v17, $0x3  }
.LBB2_4:
0x40: {  	s22 =	sadd.s32 $0xFFFFFFD0, s11;
	s1 =	sadd.s32 $0xFFFFFFE0, s11  }
0x41: {  	v15 =	vor.u32 s11, v2;
	s10 =	sadd.s32 $0x4, s10;
	v14 =	vcvt.s32.f32 v14;
	v8 =	vmul.f32 $3.000000000e+00, v8;
	v16 =	vld [tilespmem:s18+$0x4000];
	[tilespmem:s8+$0x10012] =	vst v13;
	s7 =	sadd.s32 $0x100, s7;
	s2 =	sand.u32 $0x40, s22  }
0x42: {  	v12 =	vsel vm1, $0x45004000, v12;
	v13 =	vor.u32 s1, v2;
	v15 =	vcvt.s32.f32 v15;
	p2 =	slt.u32 s10, $0x7C;
	v17 =	vld [tilespmem:s0+$0x0];
	s3 =	sand.u32 $0x1E00, s7;
	s0 =	sor.u32 s2, s5  }
0x43: {  	v13 =	vcvt.s32.f32 v13;
	s2 =	sadd.s32 $0xFFFFFFF0, s11;
	v14 =	vadd.f32 v14, v8;
	v18 =	vmul.f32 $3.000000000e+00, v9;
	v19 =	vld [tilespmem:s4+$0x0];
	[tilespmem:s8+$0x10022] =	vst v12;
	s6 =	sor.u32 s3, s0  }
0x44: {  	v12 =	vmov s9;
	s0 =	sand.u32 $0x50, s1;
	s1 =	sand.u32 $0x60, s2;
	v9 =	vor.u32 s2, v2;
	vm1 =	vlt.s32 v10, $0x3;
	v20 =	vld [tilespmem:s18+$0x0];
	s2 =	sand.u32 $0x70, s11  }
.Ltmp0:
0x45: {  	v8 =	vld [tilespmem:s6+$0x4000];
	s0 =	sor.u32 s0, s5;
	s1 =	sor.u32 s1, s5;
	v10 =	vsel vm1, $0x45004000, v14;
	vm1 =	veq.s32 v12, v2;
	v11 =	vmul.f32 $3.000000000e+00, v11;
	(pc) =	sbr.rel @p2 .LBB2_4-.Ltmp0, $4  }
0x46: {  	s13 =	sshra.s32 s12, $0x2;
	v14 =	vcvt.s32.f32 v9;
	s2 =	sor.u32 s2, s5;
	s0 =	sor.u32 s3, s0;
	v10 =	vsel vm1, $0xBF800000, v10;
	v16 =	vmul.f32 $3.000000000e+00, v16  }
0x47: {  	s9 =	smov.u32 s22;
	v18 =	vadd.f32 v5, v18;
	v5 =	vmovc v13;
	s4 =	sor.u32 s3, s1;
	s18 =	sor.u32 s3, s2;
	v9 =	vld [tilespmem:s0+$0x4000];
	[tilespmem:s13+$0x10002] =	vst v10;
	vm2 =	vlt.s32 v17, $0x3;
	v12 =	vadd.f32 v6, v11  }
0x48: {  	s12 =	smov.u32 s7;
	v17 =	vsel vm0, $0x45004000, v7;
	v6 =	vmovc v14;
	v10 =	vld [tilespmem:s6+$0x0];
	vm1 =	vlt.s32 v19, $0x3;
	v7 =	vadd.f32 v4, v16;
	v4 =	vmovc v15  }
0x49: {  	s11 =	sadd.s32 $0x40, s11;
	v14 =	vor.u32 s9, v2;
	v13 =	vsel vm2, $0x45004000, v18;
	v11 =	vld [tilespmem:s4+$0x4000];
	vm0 =	vlt.s32 v20, $0x3;
	[tilespmem:s8+$0x10032] =	vst v17;
	s8 =	smov.u32 s13  }
0x4a: {  	v14 =	vcvt.s32.f32 v14;
	v8 =	vmul.f32 $3.000000000e+00, v8;
	v15 =	vld [tilespmem:s18+$0x4000]  }
0x4b: {  	v16 =	vld [tilespmem:s0+$0x0]  }
0x4c: {  	v12 =	vsel vm1, $0x45004000, v12;
	v8 =	vadd.f32 v14, v8;
	v14 =	vld [tilespmem:s4+$0x0]  }
0x4d: {  	v17 =	vmov s9;
	v9 =	vmul.f32 $3.000000000e+00, v9;
	vm6 =	vlt.s32 v10, $0x3;
	v10 =	vld [tilespmem:s18+$0x0]  }
0x4e: {  	[tilespmem:s8+$0x10012] =	vst v13;
	v7 =	vsel vm0, $0x45004000, v7;
	vm2 =	veq.s32 v17, v2;
	v11 =	vmul.f32 $3.000000000e+00, v11  }
0x4f: {  	[tilespmem:s8+$0x10022] =	vst v12;
	v8 =	vsel vm6, $0x45004000, v8;
	v5 =	vadd.f32 v5, v9;
	v12 =	vmul.f32 $3.000000000e+00, v15  }
0x50: {  	s11 =	sshra.s32 s12, $0x2;
	[tilespmem:s8+$0x10032] =	vst v7;
	v8 =	vsel vm2, $0xBF800000, v8;
	vm7 =	vlt.s32 v16, $0x3;
	v6 =	vadd.f32 v6, v11  }
0x51: {  	[tilespmem:s11+$0x10002] =	vst v8;
	v5 =	vsel vm7, $0x45004000, v5;
	vm8 =	vlt.s32 v14, $0x3;
	v4 =	vadd.f32 v4, v12  }
0x52: {  	[tilespmem:s11+$0x10012] =	vst v5;
	vm9 =	vlt.s32 v10, $0x3;
	v5 =	vsel vm8, $0x45004000, v6  }
0x53: {  	[tilespmem:s11+$0x10022] =	vst v5;
	v4 =	vsel vm9, $0x45004000, v4  }
0x54: {  	s13 =	simm.s32 $0x0;
	[tilespmem:s11+$0x10032] =	vst v4  }
0x55: {  	v5 =	vld [tilespmem:s13+$0x10032]  }
0x56: {  	v6 =	vld [tilespmem:s13+$0x10030]  }
0x57: {  	v7 =	vld [tilespmem:s13+$0x10031]  }
0x58: {  	v8 =	vld [tilespmem:s13+$0x10033]  }
0x59: {  	v9 =	vld [tilespmem:s13+$0x10034]  }
0x5a: {  	v10 =	vld [tilespmem:s13+$0x10002]  }
0x5b: {  	v11 =	vld [tilespmem:s13+$0x10000]  }
0x5c: {  	v12 =	vld [tilespmem:s13+$0x10012]  }
0x5d: {  	v4 =	vmov s26;
	v13 =	vld [tilespmem:s13+$0x10022]  }
0x5e: {  	v4 =	vshll.u32 v4, $0x7;
	v15 =	vld [tilespmem:s13+$0x10011]  }
0x5f: {  	v60 =	vld [tilespmem:s13+$0x10021];
	v4 =	vand.u32 $0x180, v4  }
0x60: {  	v18 =	vld [tilespmem:s13+$0x10013];
	v4 =	vbroadcast v4, $0x0;
	vm10 =	vgt.f32 v6, v5  }
0x61: {  	s7 =	simm.s32 $0x30;
	vm11 =	vgt.f32 v7, v5;
	v7 =	vld [tilespmem:s13+$0x10010];
	vm12 =	vlt.f32 v8, v5;
	v6 =	vsel vm10, $0xFFFFFFFF, v3  }
0x62: {  	v19 =	vld [tilespmem:s13+$0x10023];
	vm13 =	vlt.f32 v9, v5;
	v8 =	vsel vm11, $0xFFFFFFFF, v3;
	v6 =	vadd.s32 s7, v6  }
0x63: {  	s12 =	simm.s32 $0x0;
	s1 =	sand.u32 $0x70, s7;
	v9 =	vld [tilespmem:s13+$0x10001];
	vm14 =	vgt.f32 v11, v10;
	v14 =	vsel vm12, $0x1, v3;
	v5 =	vadd.s32 v8, v6  }
0x64: {  	s0 =	sand.u32 $0x1E00, s12;
	s1 =	sor.u32 s1, s5;
	vm8 =	vgt.f32 v15, v12;
	v6 =	vld [tilespmem:s13+$0x10020];
	v8 =	vsel vm13, $0x1, v3;
	v5 =	vadd.s32 v14, v5  }
0x65: {  	s1 =	sor.u32 s0, s1;
	v15 =	vld [tilespmem:s13+$0x10014];
	vm9 =	vgt.f32 v60, v13;
	v11 =	vsel vm14, $0xFFFFFFFF, v3;
	v5 =	vadd.s32 v8, v5  }
0x66: {  	s2 =	simm.s32 $0x0;
	vm11 =	vlt.f32 v18, v12;
	vm15 =	vgt.f32 v7, v12;
	v7 =	vld [tilespmem:s1+$0x2000];
	v5 =	vadd.s32 v2, v5  }
0x67: {  	vm12 =	vlt.f32 v19, v13;
	v11 =	vadd.s32 s2, v11;
	v8 =	vld [tilespmem:s1+$0x0];
	v14 =	vshll.u32 v5, $0x2  }
0x68: {  	v18 =	vsel vm11, $0x1, v3;
	v5 =	vand.u32 $0x7F, v5;
	v14 =	vand.u32 $0xFFFFFE00, v14  }
0x69: {  	vm5 =	vgt.f32 v9, v10;
	vm4 =	vgt.f32 v6, v13;
	v6 =	vld [tilespmem:s13+$0x10003];
	v5 =	vor.u32 v14, v5  }
0x6a: {  	vm14 =	vlt.f32 v15, v12;
	v14 =	vor.u32 v4, v5;
	v5 =	vsel vm5, $0xFFFFFFFF, v3  }
0x6b: {  	s18 =	simm.s32 $0x10;
	v59 =	vsel vm15, $0xFFFFFFFF, v3;
	vm6 =	vlt.f32 v7, $1.500000060e-01;
	v7 =	vadd.s32 v5, v11;
	v11 =	vld [tilespmem:s13+$0x10004]  }
0x6c: {  	s3 =	simm.s32 $0x20;
	s2 =	sand.u32 $0x40, s2;
	v16 =	vadd.s32 s18, v59;
	v9 =	vsel vm4, $0xFFFFFFFF, v3;
	vm7 =	vgt.s32 v8, $0x2  }
0x6d: {  	v62 =	vld [tilespmem:s13+$0x10024];
	s2 =	sor.u32 s2, s5;
	v9 =	vadd.s32 s3, v9;
	vm0 =	vmand vm6, vm7;
	v5 =	vsel vm8, $0xFFFFFFFF, v3  }
0x6e: {  	s2 =	sor.u32 s0, s2;
	s1 =	sand.u32 $0x50, s18;
	vm10 =	vlt.f32 v6, v10;
	v6 =	vadd.s32 v5, v16;
	v5 =	vsel vm9, $0xFFFFFFFF, v3  }
0x6f: {  	s1 =	sor.u32 s1, s5;
	v61 =	vsel vm0, $0x4, v8;
	v8 =	vsel vm10, $0x1, v3;
	v9 =	vadd.s32 v5, v9;
	v5 =	vld [tilespmem:s2+$0x0]  }
0x70: {  	v12 =	vsel vm14, $0x1, v3;
	s1 =	sor.u32 s0, s1;
	s3 =	sand.u32 $0x60, s3;
	v7 =	vadd.s32 v8, v7;
	v8 =	vld [tilespmem:s2+$0x2000];
	vm13 =	vlt.f32 v11, v10  }
0x71: {  	s22 =	sor.u32 s3, s5;
	v10 =	vadd.s32 v18, v6;
	v11 =	vsel vm12, $0x1, v3;
	v6 =	vld [tilespmem:s1+$0x0];
	v63 =	vsel vm13, $0x1, v3  }
0x72: {  	vm15 =	vlt.f32 v62, v13;
	s0 =	sor.u32 s0, s22;
	v15 =	vadd.s32 v11, v9;
	v9 =	vld [tilespmem:s1+$0x2000];
	v11 =	vadd.s32 v63, v7  }
0x73: {  	v16 =	vsel vm15, $0x1, v3;
	v12 =	vadd.s32 v12, v10;
	v10 =	vld [tilespmem:s0+$0x2000];
	v11 =	vadd.s32 v2, v11  }
0x74: {  	s9 =	simm.s32 $0x100;
	s8 =	simm.s32 $0x0;
	[tilespmem:v14+s29+$0x0] =	vst.idx.msk $0xffff, v61;
	v7 =	vld [tilespmem:s0+$0x0];
	v12 =	vadd.s32 v2, v12;
	v14 =	vadd.s32 v16, v15;
	v13 =	vshll.u32 v11, $0x2  }
.LBB2_6:
0x75: {  	s10 =	sshra.s32 s9, $0x2;
	v13 =	vand.u32 $0xFFFFFE00, v13;
	v15 =	vshll.u32 v12, $0x2;
	v14 =	vadd.s32 v2, v14  }
0x76: {  	s8 =	sadd.s32 $0x4, s8;
	v11 =	vand.u32 $0x7F, v11;
	v16 =	vld [tilespmem:s10+$0x10032];
	v15 =	vand.u32 $0xFFFFFE00, v15;
	v17 =	vshll.u32 v14, $0x2  }
0x77: {  	v12 =	vand.u32 $0x7F, v12;
	p2 =	slt.u32 s8, $0x7C;
	v14 =	vand.u32 $0x7F, v14;
	v18 =	vld [tilespmem:s10+$0x10030];
	v17 =	vand.u32 $0xFFFFFE00, v17  }
0x78: {  	vm0 =	vlt.f32 v8, $1.500000060e-01;
	vm1 =	vgt.s32 v5, $0x2;
	vm3 =	vlt.f32 v9, $1.500000060e-01;
	v19 =	vld [tilespmem:s10+$0x10031]  }
0x79: {  	vm4 =	vgt.s32 v6, $0x2;
	vm6 =	vgt.s32 v7, $0x2;
	vm5 =	vlt.f32 v10, $1.500000060e-01;
	v8 =	vld [tilespmem:s10+$0x10033]  }
0x7a: {  	v10 =	vor.u32 v13, v11;
	v11 =	vor.u32 v15, v12;
	v12 =	vor.u32 v17, v14;
	v9 =	vld [tilespmem:s10+$0x10034]  }
0x7b: {  	vm2 =	vmand vm0, vm1;
	vm1 =	vmand vm3, vm4;
	vm0 =	vmand vm5, vm6;
	v13 =	vld [tilespmem:s10+$0x10002]  }
0x7c: {  	v10 =	vor.u32 v4, v10;
	v11 =	vor.u32 v4, v11;
	v14 =	vld [tilespmem:s10+$0x10000];
	vm3 =	vgt.f32 v18, v16  }
0x7d: {  	s7 =	sadd.s32 $0x40, s7;
	v12 =	vor.u32 v4, v12;
	v15 =	vld [tilespmem:s10+$0x10012];
	vm4 =	vgt.f32 v19, v16;
	v17 =	vsel vm3, $0xFFFFFFFF, v3  }
0x7e: {  	s0 =	sadd.s32 $0xFFFFFFD0, s7;
	s1 =	sadd.s32 $0xFFFFFFE0, s7;
	s11 =	sadd.s32 $0xFFFFFFF0, s7;
	v18 =	vld [tilespmem:s10+$0x10010];
	vm3 =	vlt.f32 v8, v16;
	v8 =	vsel vm4, $0xFFFFFFFF, v3;
	v17 =	vadd.s32 s7, v17  }
0x7f: {  	s4 =	sand.u32 $0x70, s7;
	s2 =	sand.u32 $0x40, s0;
	s3 =	sand.u32 $0x50, s1;
	v19 =	vld [tilespmem:s10+$0x10022];
	v20 =	vsel vm3, $0x1, v3;
	vm3 =	vlt.f32 v9, v16;
	v8 =	vadd.s32 v8, v17  }
0x80: {  	s6 =	sand.u32 $0x1E00, s9;
	s12 =	sand.u32 $0x60, s11;
	s4 =	sor.u32 s4, s5;
	v5 =	vsel vm2, $0x4, v5;
	v9 =	vld [tilespmem:s10+$0x10020];
	v16 =	vsel vm3, $0x1, v3;
	v8 =	vadd.s32 v20, v8  }
0x81: {  	s2 =	sor.u32 s2, s5;
	s3 =	sor.u32 s3, s5;
	s13 =	sor.u32 s6, s4;
	v17 =	vld [tilespmem:s10+$0x10001];
	vm2 =	vgt.f32 v14, v13;
	v8 =	vadd.s32 v16, v8;
	[tilespmem:v10+s29+$0x0] =	vst.idx.msk $0xffff, v5;
	v5 =	vsel vm1, $0x4, v6  }
0x82: {  	s2 =	sor.u32 s6, s2;
	s4 =	sor.u32 s6, s3;
	s3 =	sor.u32 s12, s5;
	v6 =	vsel vm2, $0xFFFFFFFF, v3;
	v10 =	vld [tilespmem:s13+$0x0];
	v8 =	vadd.s32 v2, v8;
	[tilespmem:v11+s29+$0x0] =	vst.idx.msk $0xffff, v5;
	v5 =	vsel vm0, $0x4, v7  }
0x83: {  	v6 =	vadd.s32 s0, v6;
	vm0 =	vgt.f32 v18, v15;
	s0 =	sor.u32 s6, s3;
	v7 =	vld [tilespmem:s13+$0x2000];
	v11 =	vshll.u32 v8, $0x2;
	[tilespmem:v12+s29+$0x0] =	vst.idx.msk $0xffff, v5  }
0x84: {  	v8 =	vand.u32 $0x7F, v8;
	v5 =	vld [tilespmem:s10+$0x10011];
	v12 =	vsel vm0, $0xFFFFFFFF, v3;
	v11 =	vand.u32 $0xFFFFFE00, v11  }
0x85: {  	v12 =	vadd.s32 s1, v12;
	v14 =	vld [tilespmem:s10+$0x10021];
	vm0 =	vgt.f32 v9, v19;
	v8 =	vor.u32 v11, v8  }
0x86: {  	v9 =	vld [tilespmem:s10+$0x10003];
	vm1 =	vgt.f32 v17, v13;
	v11 =	vsel vm0, $0xFFFFFFFF, v3;
	v8 =	vor.u32 v4, v8  }
0x87: {  	v16 =	vsel vm1, $0xFFFFFFFF, v3;
	v17 =	vld [tilespmem:s10+$0x10013];
	v11 =	vadd.s32 s11, v11  }
0x88: {  	vm1 =	vgt.s32 v10, $0x2;
	v6 =	vadd.s32 v16, v6;
	v16 =	vld [tilespmem:s10+$0x10023];
	vm0 =	vlt.f32 v7, $1.500000060e-01  }
0x89: {  	v7 =	vld [tilespmem:s10+$0x10004];
	vm2 =	vgt.f32 v5, v15;
	vm0 =	vmand vm0, vm1  }
0x8a: {  	v18 =	vld [tilespmem:s10+$0x10014];
	v5 =	vsel vm2, $0xFFFFFFFF, v3;
	vm1 =	vgt.f32 v14, v19;
	v10 =	vsel vm0, $0x4, v10  }
0x8b: {  	vm0 =	vlt.f32 v9, v13;
	v9 =	vadd.s32 v5, v12;
	v12 =	vld [tilespmem:s10+$0x10024];
	v14 =	vsel vm1, $0xFFFFFFFF, v3;
	[tilespmem:v8+s29+$0x0] =	vst.idx.msk $0xffff, v10  }
0x8c: {  	v10 =	vsel vm0, $0x1, v3;
	v5 =	vld [tilespmem:s2+$0x0];
	vm0 =	vlt.f32 v17, v15;
	v11 =	vadd.s32 v14, v11  }
0x8d: {  	v8 =	vld [tilespmem:s2+$0x2000];
	v10 =	vadd.s32 v10, v6;
	v14 =	vsel vm0, $0x1, v3;
	vm0 =	vlt.f32 v16, v19  }
.Ltmp1:
0x8e: {  	vm1 =	vlt.f32 v7, v13;
	v6 =	vld [tilespmem:s4+$0x0];
	v13 =	vadd.s32 v14, v9;
	v7 =	vsel vm0, $0x1, v3;
	(pc) =	sbr.rel @p2 .LBB2_6-.Ltmp1, $4  }
0x8f: {  	v14 =	vsel vm1, $0x1, v3;
	vm0 =	vlt.f32 v18, v15;
	v9 =	vld [tilespmem:s4+$0x2000];
	v15 =	vadd.s32 v7, v11  }
0x90: {  	v10 =	vadd.s32 v14, v10;
	v14 =	vsel vm0, $0x1, v3;
	vm0 =	vlt.f32 v12, v19;
	v7 =	vld [tilespmem:s0+$0x0]  }
0x91: {  	v11 =	vadd.s32 v2, v10;
	v12 =	vadd.s32 v14, v13;
	v14 =	vsel vm0, $0x1, v3;
	v10 =	vld [tilespmem:s0+$0x2000]  }
0x92: {  	s9 =	sadd.s32 $0x100, s9;
	v13 =	vshll.u32 v11, $0x2;
	v12 =	vadd.s32 v2, v12;
	v14 =	vadd.s32 v14, v15  }
0x93: {  	v13 =	vand.u32 $0xFFFFFE00, v13;
	v15 =	vshll.u32 v12, $0x2;
	v14 =	vadd.s32 v2, v14  }
0x94: {  	v11 =	vand.u32 $0x7F, v11;
	v61 =	vand.u32 $0x7F, v12;
	v15 =	vand.u32 $0xFFFFFE00, v15  }
0x95: {  	v16 =	vshll.u32 v14, $0x2;
	v14 =	vand.u32 $0x7F, v14;
	v11 =	vor.u32 v13, v11  }
0x96: {  	v62 =	vand.u32 $0xFFFFFE00, v16;
	v12 =	vor.u32 v15, v61;
	v11 =	vor.u32 v4, v11  }
0x97: {  	vm0 =	vlt.f32 v8, $1.500000060e-01;
	s26 =	sadd.s32 $0x1, s26;
	v63 =	vor.u32 v62, v14;
	v12 =	vor.u32 v4, v12  }
0x98: {  	vm1 =	vgt.s32 v5, $0x2;
	vm3 =	vgt.s32 v6, $0x2;
	p2 =	sne.s32 s26, $0x4;
	v4 =	vor.u32 v4, v63  }
.Ltmp2:
0x99: {  	vm2 =	vlt.f32 v9, $1.500000060e-01;
	vm0 =	vmand vm0, vm1;
	vm14 =	vgt.s32 v7, $0x2;
	(pc) =	sbr.rel @p2 .LBB2_3-.Ltmp2, $4  }
0x9a: {  	vm2 =	vmand vm2, vm3;
	v5 =	vsel vm0, $0x4, v5;
	vm4 =	vlt.f32 v10, $1.500000060e-01  }
0x9b: {  	vm15 =	vmand vm4, vm14;
	[tilespmem:v11+s29+$0x0] =	vst.idx.msk $0xffff, v5;
	v5 =	vsel vm2, $0x4, v6  }
0x9c: {  	[tilespmem:v12+s29+$0x0] =	vst.idx.msk $0xffff, v5;
	v5 =	vsel vm15, $0x4, v7  }
0x9d: {  	[tilespmem:v4+s29+$0x0] =	vst.idx.msk $0xffff, v5  }
0x9e: {  	s0 =	sshll.u32 s24, $0xB  }
0x9f: {  	s0 =	sadd.s32 s14, s0  }
0xa0: {  	[hbm4b:s0+s20] =	stream.strided.scatter [tilespmem:s29], [sflag:$0x3], $0x2000, s21, s20, $0x38;
	[tilespmem:$0x10880] =	vst v63  }
0xa1: {  	s0 =	simm.s32 @p0 $0x2  }
0xa2: {  	_ =	swait.ge @p0 [sflag:s0], $0x2000  }
0xa3: {  	s1 =	simm.s32 @!p0 $0x400;
	s2 =	simm.s32 @!p0 $0x0;
	[sflag:s0] =	ssyncset.done @p0 $0x0  }
0xa4: {  	s3 =	rddreg [dreg:$0xc];
	[sflag:s0] =	ssyncadd.s32 @p0 $0xFFFFE000;
	s0 =	simm.s32 @!p0 $0x200  }
0xa5: {  	[tilespmem:s2], [sflag:$0x1] =	stream.strided.gather @!p0 [hbm4b:s3+s0], $0x2000, s1, s0, $0x38;
	[tilespmem:$0x10880] =	vst v63  }
0xa6: {  	s2 =	simm.s32 @!p0 $0x2000  }
0xa7: {  	[tilespmem:s2], [sflag:$0x1] =	stream.strided.gather @!p0 [hbm4b:s15+s0], $0x2000, s1, s0, $0x38;
	[tilespmem:$0x10880] =	vst v63  }
0xa8: {  	s2 =	simm.s32 @!p0 $0x4000  }
0xa9: {  	[tilespmem:s2], [sflag:$0x1] =	stream.strided.gather @!p0 [hbm4b:s16+s0], $0x2000, s1, s0, $0x38;
	[tilespmem:$0x10880] =	vst v63  }
0xaa: {  	_ =	swait.ge [sflag:s30], $0x2000  }
0xab: {  	[sflag:s30] =	ssyncset.done $0x0  }
0xac: {  	[sflag:s30] =	ssyncadd.s32 $0xFFFFE000  }
0xad: {  	_ =	swait.ge [sflag:s30], $0x2000  }
0xae: {  	s0 =	simm.s32 @!p0 $0x2;
	[sflag:s30] =	ssyncset.done $0x0  }
0xaf: {  	s0 =	simm.s32 @p0 $0x4;
	[sflag:s30] =	ssyncadd.s32 $0xFFFFE000  }
0xb0: {  	_ =	swait.ge [sflag:s0], $0x2000  }
0xb1: {  	[sflag:s0] =	ssyncset.done $0x0  }
0xb2: {  	s24 =	simm.s32 $0x0;
	s25 =	simm.s32 $0x0;
	[sflag:s0] =	ssyncadd.s32 $0xFFFFE000  }
.LBB2_9:
0xb3: {  	s1 =	simm.s32 $0x0  }
0xb4: {  	s5 =	sshll.u32 s25, $0x7;
	s3 =	simm.s32 $0x10;
	s2 =	sand.u32 $0x40, s1  }
0xb5: {  	[tilespmem:$0x10000] =	vst v0;
	s4 =	sand.u32 $0x1E00, s24;
	s6 =	sand.u32 $0x50, s3;
	s2 =	sor.u32 s2, s5  }
0xb6: {  	[tilespmem:$0x10802] =	vst v1;
	s0 =	simm.s32 $0x30;
	s6 =	sor.u32 s6, s5;
	s2 =	sor.u32 s4, s2  }
0xb7: {  	s7 =	simm.s32 $0x20;
	s9 =	sand.u32 $0x70, s0;
	s6 =	sor.u32 s4, s6;
	v4 =	vld [tilespmem:s2+$0xC000]  }
0xb8: {  	s8 =	sand.u32 $0x60, s7;
	s22 =	sor.u32 s9, s5;
	v6 =	vld [tilespmem:s6+$0xC000]  }
0xb9: {  	v5 =	vor.u32 s0, v2;
	s8 =	sor.u32 s8, s5;
	s0 =	sor.u32 s4, s22;
	v8 =	vld [tilespmem:s2+$0x8000]  }
0xba: {  	v7 =	vor.u32 s3, v2;
	s26 =	sor.u32 s4, s8;
	v14 =	vld [tilespmem:s0+$0xC000]  }
0xbb: {  	v10 =	vor.u32 s7, v2;
	v18 =	vmov s1;
	v11 =	vcvt.s32.f32 v5;
	v9 =	vld [tilespmem:s26+$0xC000]  }
0xbc: {  	v7 =	vcvt.s32.f32 v7;
	v5 =	vor.u32 s1, v2;
	v10 =	vcvt.s32.f32 v10;
	s8 =	simm.s32 $0x50  }
0xbd: {  	s9 =	simm.s32 $0x40;
	v12 =	vcvt.s32.f32 v5;
	s2 =	simm.s32 $0x70;
	v5 =	vor.u32 s8, v2;
	v15 =	vld [tilespmem:s6+$0x8000];
	v13 =	vmul.f32 $3.000000000e+00, v4  }
0xbe: {  	s11 =	simm.s32 $0x60;
	s7 =	simm.s32 $0x100;
	s10 =	sand.u32 $0x40, s9;
	v17 =	vld [tilespmem:s0+$0x8000];
	v5 =	vcvt.s32.f32 v5;
	v4 =	vor.u32 s2, v2;
	v16 =	vmul.f32 $3.000000000e+00, v6  }
0xbf: {  	s12 =	sand.u32 $0x1E00, s7;
	s6 =	sor.u32 s10, s5;
	s4 =	sand.u32 $0x50, s8;
	v6 =	vor.u32 s11, v2;
	v14 =	vmul.f32 $3.000000000e+00, v14;
	v12 =	vadd.f32 v12, v13;
	v13 =	vld [tilespmem:s26+$0x8000]  }
0xc0: {  	s22 =	sand.u32 $0x60, s11;
	s13 =	sor.u32 s12, s6;
	s18 =	sor.u32 s4, s5;
	vm0 =	vlt.s32 v8, $0x3;
	v19 =	vmul.f32 $3.000000000e+00, v9;
	v4 =	vcvt.s32.f32 v4  }
0xc1: {  	s18 =	sor.u32 s12, s18;
	v8 =	vld [tilespmem:s13+$0xC000];
	v6 =	vcvt.s32.f32 v6;
	s26 =	sor.u32 s22, s5;
	v16 =	vadd.f32 v7, v16;
	v7 =	vadd.f32 v11, v14  }
0xc2: {  	s2 =	sand.u32 $0x70, s2;
	v9 =	vld [tilespmem:s18+$0xC000];
	v14 =	vor.u32 s9, v2;
	s4 =	sor.u32 s12, s26;
	v12 =	vsel vm0, $0x45004000, v12;
	vm0 =	veq.s32 v18, v2  }
0xc3: {  	s10 =	simm.s32 $0x4;
	s8 =	simm.s32 $0x0;
	s2 =	sor.u32 s2, s5;
	v11 =	vld [tilespmem:s4+$0xC000];
	v18 =	vsel vm0, $0xBF800000, v12;
	vm0 =	vlt.s32 v15, $0x3;
	v12 =	vadd.f32 v10, v19  }
0xc4: {  	s11 =	simm.s32 $0xB0;
	s0 =	sor.u32 s12, s2;
	s12 =	simm.s32 $0x100;
	v10 =	vld [tilespmem:s13+$0x8000];
	[tilespmem:s8+$0x10002] =	vst v18;
	vm1 =	vlt.s32 v13, $0x3;
	v13 =	vsel vm0, $0x45004000, v16;
	vm0 =	vlt.s32 v17, $0x3  }
.LBB2_10:
0xc5: {  	s1 =	sadd.s32 $0xFFFFFFD0, s11  }
0xc6: {  	s2 =	sadd.s32 $0xFFFFFFE0, s11;
	v15 =	vor.u32 s11, v2;
	s10 =	sadd.s32 $0x4, s10;
	v14 =	vcvt.s32.f32 v14;
	v8 =	vmul.f32 $3.000000000e+00, v8;
	v16 =	vld [tilespmem:s0+$0xC000];
	[tilespmem:s8+$0x10012] =	vst v13;
	s7 =	sadd.s32 $0x100, s7  }
0xc7: {  	v12 =	vsel vm1, $0x45004000, v12;
	s13 =	sadd.s32 $0xFFFFFFF0, s11;
	s3 =	sand.u32 $0x40, s1;
	v13 =	vor.u32 s2, v2;
	v15 =	vcvt.s32.f32 v15;
	p2 =	slt.u32 s10, $0x7C;
	v17 =	vld [tilespmem:s18+$0x8000]  }
0xc8: {  	s6 =	sand.u32 $0x1E00, s7;
	s2 =	sand.u32 $0x50, s2;
	s3 =	sor.u32 s3, s5;
	v13 =	vcvt.s32.f32 v13;
	v14 =	vadd.f32 v14, v8;
	v18 =	vmul.f32 $3.000000000e+00, v9;
	v19 =	vld [tilespmem:s4+$0x8000];
	[tilespmem:s8+$0x10022] =	vst v12  }
0xc9: {  	s4 =	sand.u32 $0x60, s13;
	v9 =	vor.u32 s13, v2;
	v12 =	vmov s9;
	s3 =	sor.u32 s6, s3;
	vm1 =	vlt.s32 v10, $0x3;
	v20 =	vld [tilespmem:s0+$0x8000];
	s0 =	sor.u32 s2, s5  }
.Ltmp3:
0xca: {  	s2 =	sor.u32 s4, s5;
	s4 =	sand.u32 $0x70, s11;
	v8 =	vld [tilespmem:s3+$0xC000];
	v10 =	vsel vm1, $0x45004000, v14;
	vm1 =	veq.s32 v12, v2;
	v11 =	vmul.f32 $3.000000000e+00, v11;
	(pc) =	sbr.rel @p2 .LBB2_10-.Ltmp3, $4  }
0xcb: {  	s13 =	sshra.s32 s12, $0x2;
	s18 =	sor.u32 s6, s0;
	v14 =	vcvt.s32.f32 v9;
	s0 =	sor.u32 s4, s5;
	v10 =	vsel vm1, $0xBF800000, v10;
	v16 =	vmul.f32 $3.000000000e+00, v16  }
0xcc: {  	s9 =	smov.u32 s1;
	s4 =	sor.u32 s6, s2;
	v18 =	vadd.f32 v5, v18;
	v5 =	vmovc v13;
	s0 =	sor.u32 s6, s0;
	v9 =	vld [tilespmem:s18+$0xC000];
	[tilespmem:s13+$0x10002] =	vst v10;
	vm2 =	vlt.s32 v17, $0x3;
	v12 =	vadd.f32 v6, v11  }
0xcd: {  	s12 =	smov.u32 s7;
	v17 =	vsel vm0, $0x45004000, v7;
	v6 =	vmovc v14;
	v10 =	vld [tilespmem:s3+$0x8000];
	vm1 =	vlt.s32 v19, $0x3;
	v7 =	vadd.f32 v4, v16;
	v4 =	vmovc v15  }
0xce: {  	s11 =	sadd.s32 $0x40, s11;
	v14 =	vor.u32 s9, v2;
	v13 =	vsel vm2, $0x45004000, v18;
	v11 =	vld [tilespmem:s4+$0xC000];
	vm0 =	vlt.s32 v20, $0x3;
	[tilespmem:s8+$0x10032] =	vst v17;
	s8 =	smov.u32 s13  }
0xcf: {  	v14 =	vcvt.s32.f32 v14;
	v8 =	vmul.f32 $3.000000000e+00, v8;
	v15 =	vld [tilespmem:s0+$0xC000]  }
0xd0: {  	v16 =	vld [tilespmem:s18+$0x8000]  }
0xd1: {  	v12 =	vsel vm1, $0x45004000, v12;
	v8 =	vadd.f32 v14, v8;
	v14 =	vld [tilespmem:s4+$0x8000]  }
0xd2: {  	v17 =	vmov s9;
	v9 =	vmul.f32 $3.000000000e+00, v9;
	vm6 =	vlt.s32 v10, $0x3;
	v10 =	vld [tilespmem:s0+$0x8000]  }
0xd3: {  	[tilespmem:s8+$0x10012] =	vst v13;
	v7 =	vsel vm0, $0x45004000, v7;
	vm2 =	veq.s32 v17, v2;
	v11 =	vmul.f32 $3.000000000e+00, v11  }
0xd4: {  	[tilespmem:s8+$0x10022] =	vst v12;
	v8 =	vsel vm6, $0x45004000, v8;
	v5 =	vadd.f32 v5, v9;
	v12 =	vmul.f32 $3.000000000e+00, v15  }
0xd5: {  	s12 =	sshra.s32 s12, $0x2;
	[tilespmem:s8+$0x10032] =	vst v7;
	v8 =	vsel vm2, $0xBF800000, v8;
	vm7 =	vlt.s32 v16, $0x3;
	v6 =	vadd.f32 v6, v11  }
0xd6: {  	[tilespmem:s12+$0x10002] =	vst v8;
	v5 =	vsel vm7, $0x45004000, v5;
	vm8 =	vlt.s32 v14, $0x3;
	v4 =	vadd.f32 v4, v12  }
0xd7: {  	[tilespmem:s12+$0x10012] =	vst v5;
	vm9 =	vlt.s32 v10, $0x3;
	v5 =	vsel vm8, $0x45004000, v6  }
0xd8: {  	[tilespmem:s12+$0x10022] =	vst v5;
	v4 =	vsel vm9, $0x45004000, v4  }
0xd9: {  	s18 =	simm.s32 $0x0;
	[tilespmem:s12+$0x10032] =	vst v4  }
0xda: {  	v5 =	vld [tilespmem:s18+$0x10032]  }
0xdb: {  	v6 =	vld [tilespmem:s18+$0x10030]  }
0xdc: {  	v7 =	vld [tilespmem:s18+$0x10031]  }
0xdd: {  	v8 =	vld [tilespmem:s18+$0x10033]  }
0xde: {  	v9 =	vld [tilespmem:s18+$0x10034]  }
0xdf: {  	v10 =	vld [tilespmem:s18+$0x10002]  }
0xe0: {  	v11 =	vld [tilespmem:s18+$0x10000]  }
0xe1: {  	v12 =	vld [tilespmem:s18+$0x10012]  }
0xe2: {  	v4 =	vmov s25;
	v13 =	vld [tilespmem:s18+$0x10022]  }
0xe3: {  	v4 =	vshll.u32 v4, $0x7;
	v15 =	vld [tilespmem:s18+$0x10011]  }
0xe4: {  	v60 =	vld [tilespmem:s18+$0x10021];
	v4 =	vand.u32 $0x180, v4  }
0xe5: {  	v18 =	vld [tilespmem:s18+$0x10013];
	v4 =	vbroadcast v4, $0x0;
	vm10 =	vgt.f32 v6, v5  }
0xe6: {  	s7 =	simm.s32 $0x30;
	vm11 =	vgt.f32 v7, v5;
	v7 =	vld [tilespmem:s18+$0x10010];
	vm12 =	vlt.f32 v8, v5;
	v6 =	vsel vm10, $0xFFFFFFFF, v3  }
0xe7: {  	v19 =	vld [tilespmem:s18+$0x10023];
	vm13 =	vlt.f32 v9, v5;
	v8 =	vsel vm11, $0xFFFFFFFF, v3;
	v6 =	vadd.s32 s7, v6  }
0xe8: {  	s13 =	simm.s32 $0x0;
	s1 =	sand.u32 $0x70, s7;
	v9 =	vld [tilespmem:s18+$0x10001];
	vm14 =	vgt.f32 v11, v10;
	v14 =	vsel vm12, $0x1, v3;
	v5 =	vadd.s32 v8, v6  }
0xe9: {  	s1 =	sor.u32 s1, s5;
	s0 =	sand.u32 $0x1E00, s13;
	vm8 =	vgt.f32 v15, v12;
	v6 =	vld [tilespmem:s18+$0x10020];
	v8 =	vsel vm13, $0x1, v3;
	v5 =	vadd.s32 v14, v5  }
0xea: {  	s1 =	sor.u32 s0, s1;
	v15 =	vld [tilespmem:s18+$0x10014];
	vm9 =	vgt.f32 v60, v13;
	v11 =	vsel vm14, $0xFFFFFFFF, v3;
	v5 =	vadd.s32 v8, v5  }
0xeb: {  	s2 =	simm.s32 $0x0;
	vm11 =	vlt.f32 v18, v12;
	vm15 =	vgt.f32 v7, v12;
	v7 =	vld [tilespmem:s1+$0xA000];
	v5 =	vadd.s32 v2, v5  }
0xec: {  	vm12 =	vlt.f32 v19, v13;
	v11 =	vadd.s32 s2, v11;
	v8 =	vld [tilespmem:s1+$0x8000];
	v14 =	vshll.u32 v5, $0x2  }
0xed: {  	v18 =	vsel vm11, $0x1, v3;
	v5 =	vand.u32 $0x7F, v5;
	v14 =	vand.u32 $0xFFFFFE00, v14  }
0xee: {  	vm5 =	vgt.f32 v9, v10;
	vm4 =	vgt.f32 v6, v13;
	v6 =	vld [tilespmem:s18+$0x10003];
	v5 =	vor.u32 v14, v5  }
0xef: {  	vm14 =	vlt.f32 v15, v12;
	v14 =	vor.u32 v4, v5;
	v5 =	vsel vm5, $0xFFFFFFFF, v3  }
0xf0: {  	s22 =	simm.s32 $0x10;
	v59 =	vsel vm15, $0xFFFFFFFF, v3;
	vm6 =	vlt.f32 v7, $1.500000060e-01;
	v7 =	vadd.s32 v5, v11;
	v11 =	vld [tilespmem:s18+$0x10004]  }
0xf1: {  	s3 =	simm.s32 $0x20;
	s2 =	sand.u32 $0x40, s2;
	v16 =	vadd.s32 s22, v59;
	v9 =	vsel vm4, $0xFFFFFFFF, v3;
	vm7 =	vgt.s32 v8, $0x2  }
0xf2: {  	v62 =	vld [tilespmem:s18+$0x10024];
	s2 =	sor.u32 s2, s5;
	v9 =	vadd.s32 s3, v9;
	vm0 =	vmand vm6, vm7;
	v5 =	vsel vm8, $0xFFFFFFFF, v3  }
0xf3: {  	s2 =	sor.u32 s0, s2;
	s1 =	sand.u32 $0x50, s22;
	vm10 =	vlt.f32 v6, v10;
	v6 =	vadd.s32 v5, v16;
	v5 =	vsel vm9, $0xFFFFFFFF, v3  }
0xf4: {  	s1 =	sor.u32 s1, s5;
	v61 =	vsel vm0, $0x4, v8;
	v8 =	vsel vm10, $0x1, v3;
	v9 =	vadd.s32 v5, v9;
	v5 =	vld [tilespmem:s2+$0x8000]  }
0xf5: {  	v12 =	vsel vm14, $0x1, v3;
	s1 =	sor.u32 s0, s1;
	s3 =	sand.u32 $0x60, s3;
	v7 =	vadd.s32 v8, v7;
	v8 =	vld [tilespmem:s2+$0xA000];
	vm13 =	vlt.f32 v11, v10  }
0xf6: {  	s26 =	sor.u32 s3, s5;
	v10 =	vadd.s32 v18, v6;
	v11 =	vsel vm12, $0x1, v3;
	v6 =	vld [tilespmem:s1+$0x8000];
	v63 =	vsel vm13, $0x1, v3  }
0xf7: {  	vm15 =	vlt.f32 v62, v13;
	s0 =	sor.u32 s0, s26;
	v15 =	vadd.s32 v11, v9;
	v9 =	vld [tilespmem:s1+$0xA000];
	v11 =	vadd.s32 v63, v7  }
0xf8: {  	v16 =	vsel vm15, $0x1, v3;
	v12 =	vadd.s32 v12, v10;
	v10 =	vld [tilespmem:s0+$0xA000];
	v11 =	vadd.s32 v2, v11  }
0xf9: {  	s9 =	simm.s32 $0x100;
	s8 =	simm.s32 $0x0;
	[tilespmem:v14+s31+$0x0] =	vst.idx.msk $0xffff, v61;
	v7 =	vld [tilespmem:s0+$0x8000];
	v12 =	vadd.s32 v2, v12;
	v14 =	vadd.s32 v16, v15;
	v13 =	vshll.u32 v11, $0x2  }
.LBB2_12:
0xfa: {  	s10 =	sshra.s32 s9, $0x2;
	v13 =	vand.u32 $0xFFFFFE00, v13;
	v15 =	vshll.u32 v12, $0x2;
	v14 =	vadd.s32 v2, v14  }
0xfb: {  	s8 =	sadd.s32 $0x4, s8;
	v11 =	vand.u32 $0x7F, v11;
	v16 =	vld [tilespmem:s10+$0x10032];
	v15 =	vand.u32 $0xFFFFFE00, v15;
	v17 =	vshll.u32 v14, $0x2  }
0xfc: {  	v12 =	vand.u32 $0x7F, v12;
	p2 =	slt.u32 s8, $0x7C;
	v14 =	vand.u32 $0x7F, v14;
	v18 =	vld [tilespmem:s10+$0x10030];
	v17 =	vand.u32 $0xFFFFFE00, v17  }
0xfd: {  	vm0 =	vlt.f32 v8, $1.500000060e-01;
	vm1 =	vgt.s32 v5, $0x2;
	vm3 =	vlt.f32 v9, $1.500000060e-01;
	v19 =	vld [tilespmem:s10+$0x10031]  }
0xfe: {  	vm4 =	vgt.s32 v6, $0x2;
	vm6 =	vgt.s32 v7, $0x2;
	vm5 =	vlt.f32 v10, $1.500000060e-01;
	v8 =	vld [tilespmem:s10+$0x10033]  }
0xff: {  	v10 =	vor.u32 v13, v11;
	v11 =	vor.u32 v15, v12;
	v12 =	vor.u32 v17, v14;
	v9 =	vld [tilespmem:s10+$0x10034]  }
0x100: {  	vm2 =	vmand vm0, vm1;
	vm1 =	vmand vm3, vm4;
	vm0 =	vmand vm5, vm6;
	v13 =	vld [tilespmem:s10+$0x10002]  }
0x101: {  	v10 =	vor.u32 v4, v10;
	v11 =	vor.u32 v4, v11;
	v14 =	vld [tilespmem:s10+$0x10000];
	vm3 =	vgt.f32 v18, v16  }
0x102: {  	s7 =	sadd.s32 $0x40, s7;
	v12 =	vor.u32 v4, v12;
	v15 =	vld [tilespmem:s10+$0x10012];
	vm4 =	vgt.f32 v19, v16;
	v17 =	vsel vm3, $0xFFFFFFFF, v3  }
0x103: {  	s0 =	sadd.s32 $0xFFFFFFD0, s7;
	s1 =	sadd.s32 $0xFFFFFFE0, s7;
	s11 =	sadd.s32 $0xFFFFFFF0, s7;
	v18 =	vld [tilespmem:s10+$0x10010];
	vm3 =	vlt.f32 v8, v16;
	v8 =	vsel vm4, $0xFFFFFFFF, v3;
	v17 =	vadd.s32 s7, v17  }
0x104: {  	s4 =	sand.u32 $0x70, s7;
	s2 =	sand.u32 $0x40, s0;
	s3 =	sand.u32 $0x50, s1;
	v19 =	vld [tilespmem:s10+$0x10022];
	v20 =	vsel vm3, $0x1, v3;
	vm3 =	vlt.f32 v9, v16;
	v8 =	vadd.s32 v8, v17  }
0x105: {  	s6 =	sand.u32 $0x1E00, s9;
	s12 =	sand.u32 $0x60, s11;
	s4 =	sor.u32 s4, s5;
	v5 =	vsel vm2, $0x4, v5;
	v9 =	vld [tilespmem:s10+$0x10020];
	v16 =	vsel vm3, $0x1, v3;
	v8 =	vadd.s32 v20, v8  }
0x106: {  	s2 =	sor.u32 s2, s5;
	s3 =	sor.u32 s3, s5;
	s13 =	sor.u32 s6, s4;
	v17 =	vld [tilespmem:s10+$0x10001];
	vm2 =	vgt.f32 v14, v13;
	v8 =	vadd.s32 v16, v8;
	[tilespmem:v10+s31+$0x0] =	vst.idx.msk $0xffff, v5;
	v5 =	vsel vm1, $0x4, v6  }
0x107: {  	s2 =	sor.u32 s6, s2;
	s4 =	sor.u32 s6, s3;
	s3 =	sor.u32 s12, s5;
	v6 =	vsel vm2, $0xFFFFFFFF, v3;
	v10 =	vld [tilespmem:s13+$0x8000];
	v8 =	vadd.s32 v2, v8;
	[tilespmem:v11+s31+$0x0] =	vst.idx.msk $0xffff, v5;
	v5 =	vsel vm0, $0x4, v7  }
0x108: {  	v6 =	vadd.s32 s0, v6;
	vm0 =	vgt.f32 v18, v15;
	s0 =	sor.u32 s6, s3;
	v7 =	vld [tilespmem:s13+$0xA000];
	v11 =	vshll.u32 v8, $0x2;
	[tilespmem:v12+s31+$0x0] =	vst.idx.msk $0xffff, v5  }
0x109: {  	v8 =	vand.u32 $0x7F, v8;
	v5 =	vld [tilespmem:s10+$0x10011];
	v12 =	vsel vm0, $0xFFFFFFFF, v3;
	v11 =	vand.u32 $0xFFFFFE00, v11  }
0x10a: {  	v12 =	vadd.s32 s1, v12;
	v14 =	vld [tilespmem:s10+$0x10021];
	vm0 =	vgt.f32 v9, v19;
	v8 =	vor.u32 v11, v8  }
0x10b: {  	v9 =	vld [tilespmem:s10+$0x10003];
	vm1 =	vgt.f32 v17, v13;
	v11 =	vsel vm0, $0xFFFFFFFF, v3;
	v8 =	vor.u32 v4, v8  }
0x10c: {  	v16 =	vsel vm1, $0xFFFFFFFF, v3;
	v17 =	vld [tilespmem:s10+$0x10013];
	v11 =	vadd.s32 s11, v11  }
0x10d: {  	vm1 =	vgt.s32 v10, $0x2;
	v6 =	vadd.s32 v16, v6;
	v16 =	vld [tilespmem:s10+$0x10023];
	vm0 =	vlt.f32 v7, $1.500000060e-01  }
0x10e: {  	v7 =	vld [tilespmem:s10+$0x10004];
	vm2 =	vgt.f32 v5, v15;
	vm0 =	vmand vm0, vm1  }
0x10f: {  	v18 =	vld [tilespmem:s10+$0x10014];
	v5 =	vsel vm2, $0xFFFFFFFF, v3;
	vm1 =	vgt.f32 v14, v19;
	v10 =	vsel vm0, $0x4, v10  }
0x110: {  	vm0 =	vlt.f32 v9, v13;
	v9 =	vadd.s32 v5, v12;
	v12 =	vld [tilespmem:s10+$0x10024];
	v14 =	vsel vm1, $0xFFFFFFFF, v3;
	[tilespmem:v8+s31+$0x0] =	vst.idx.msk $0xffff, v10  }
0x111: {  	v10 =	vsel vm0, $0x1, v3;
	v5 =	vld [tilespmem:s2+$0x8000];
	vm0 =	vlt.f32 v17, v15;
	v11 =	vadd.s32 v14, v11  }
0x112: {  	v8 =	vld [tilespmem:s2+$0xA000];
	v10 =	vadd.s32 v10, v6;
	v14 =	vsel vm0, $0x1, v3;
	vm0 =	vlt.f32 v16, v19  }
.Ltmp4:
0x113: {  	vm1 =	vlt.f32 v7, v13;
	v6 =	vld [tilespmem:s4+$0x8000];
	v13 =	vadd.s32 v14, v9;
	v7 =	vsel vm0, $0x1, v3;
	(pc) =	sbr.rel @p2 .LBB2_12-.Ltmp4, $4  }
0x114: {  	v14 =	vsel vm1, $0x1, v3;
	vm0 =	vlt.f32 v18, v15;
	v9 =	vld [tilespmem:s4+$0xA000];
	v15 =	vadd.s32 v7, v11  }
0x115: {  	v10 =	vadd.s32 v14, v10;
	v14 =	vsel vm0, $0x1, v3;
	vm0 =	vlt.f32 v12, v19;
	v7 =	vld [tilespmem:s0+$0x8000]  }
0x116: {  	v11 =	vadd.s32 v2, v10;
	v12 =	vadd.s32 v14, v13;
	v14 =	vsel vm0, $0x1, v3;
	v10 =	vld [tilespmem:s0+$0xA000]  }
0x117: {  	s9 =	sadd.s32 $0x100, s9;
	v13 =	vshll.u32 v11, $0x2;
	v12 =	vadd.s32 v2, v12;
	v14 =	vadd.s32 v14, v15  }
0x118: {  	v13 =	vand.u32 $0xFFFFFE00, v13;
	v15 =	vshll.u32 v12, $0x2;
	v14 =	vadd.s32 v2, v14  }
0x119: {  	v11 =	vand.u32 $0x7F, v11;
	v61 =	vand.u32 $0x7F, v12;
	v15 =	vand.u32 $0xFFFFFE00, v15  }
0x11a: {  	v16 =	vshll.u32 v14, $0x2;
	v14 =	vand.u32 $0x7F, v14;
	v11 =	vor.u32 v13, v11  }
0x11b: {  	v62 =	vand.u32 $0xFFFFFE00, v16;
	v12 =	vor.u32 v15, v61;
	v11 =	vor.u32 v4, v11  }
0x11c: {  	vm0 =	vlt.f32 v8, $1.500000060e-01;
	s25 =	sadd.s32 $0x1, s25;
	v63 =	vor.u32 v62, v14;
	v12 =	vor.u32 v4, v12  }
0x11d: {  	vm1 =	vgt.s32 v5, $0x2;
	vm3 =	vgt.s32 v6, $0x2;
	p2 =	sne.s32 s25, $0x4;
	v4 =	vor.u32 v4, v63  }
.Ltmp5:
0x11e: {  	vm2 =	vlt.f32 v9, $1.500000060e-01;
	vm0 =	vmand vm0, vm1;
	vm14 =	vgt.s32 v7, $0x2;
	(pc) =	sbr.rel @p2 .LBB2_9-.Ltmp5, $4  }
0x11f: {  	vm2 =	vmand vm2, vm3;
	v5 =	vsel vm0, $0x4, v5;
	vm4 =	vlt.f32 v10, $1.500000060e-01  }
0x120: {  	vm15 =	vmand vm4, vm14;
	[tilespmem:v11+s31+$0x0] =	vst.idx.msk $0xffff, v5;
	v5 =	vsel vm2, $0x4, v6  }
0x121: {  	[tilespmem:v12+s31+$0x0] =	vst.idx.msk $0xffff, v5;
	v5 =	vsel vm15, $0x4, v7  }
0x122: {  	[tilespmem:v4+s31+$0x0] =	vst.idx.msk $0xffff, v5  }
0x123: {  	s0 =	sshll.u32 s23, $0xB  }
0x124: {  	s1 =	sadd.s32 s0, s17;
	s0 =	sadd.s32 @!p0 s19, s0  }
0x125: {  	[hbm4b:s1+s20] =	stream.strided.scatter [tilespmem:s31], [sflag:$0x4], $0x2000, s21, s20, $0x38;
	[tilespmem:$0x10880] =	vst v63  }
0x126: {  	s0 =	sand.u32 @!p0 $0x3F800, s0  }
0x127: {  	s2 =	simm.s32 @!p0 $0x200;
	s1 =	rddreg [dreg:$0x0];
	s0 =	sor.u32 @!p0 $0x40, s0  }
0x128: {  	s3 =	simm.s32 @!p0 $0x400;
	s4 =	simm.s32 @!p0 $0x8000;
	s1 =	sadd.s32 @!p0 s1, s0  }
0x129: {  	[tilespmem:s4], [sflag:$0x2] =	stream.strided.gather @!p0 [hbm4b:s1+s2], $0x2000, s3, s2, $0x38;
	[tilespmem:$0x10880] =	vst v63  }
0x12a: {  	s1 =	rddreg [dreg:$0x1]  }
0x12b: {  	p4 =	por p0, !p1;
	s4 =	simm.s32 @!p0 $0xA000;
	s1 =	sadd.s32 @!p0 s1, s0  }
0x12c: {  	[tilespmem:s4], [sflag:$0x2] =	stream.strided.gather @!p0 [hbm4b:s1+s2], $0x2000, s3, s2, $0x38;
	[tilespmem:$0x10880] =	vst v63  }
.Ltmp6:
0x12d: {  	_ = 	snop;
	(pc) =	sbr.rel @!p4 .LBB2_2-.Ltmp6, $4  }
0x12e: {  	p2 =	por @!p0 $0x0, $0x0;
	s1 =	rddreg [dreg:$0x2]  }
0x12f: {  	p3 =	por @!p0 $0x1, $0x1;
	s0 =	sadd.s32 @!p0 s1, s0;
	s1 =	simm.s32 @!p0 $0xC000  }
0x130: {  	[tilespmem:s1], [sflag:$0x2] =	stream.strided.gather @!p0 [hbm4b:s0+s2], $0x2000, s3, s2, $0x38;
	[tilespmem:$0x10880] =	vst v63  }
0x131: {  	s23 =	simm.s32 @!p0 $0x1;
	p1 =	por p2, p2;
	p0 =	por p3, p3  }
0x132: {  	s0 =	simm.s32 $0x3  }
0x133: {  	_ =	swait.ge [sflag:s0], $0x2000  }
0x134: {  	[sflag:s0] =	ssyncset.done $0x0  }
0x135: {  	s1 =	simm.s32 $0x4;
	[sflag:s0] =	ssyncadd.s32 $0xFFFFE000  }
0x136: {  	_ =	swait.ge [sflag:s1], $0x2000  }
0x137: {  	s2 =	rddreg [dreg:$0xe]  }
0x138: {  	s26 =	rddreg [dreg:$0xd];
	s2 =	sadd.s32 $0x1, s2  }
0x139: {  	p0 =	sne.s32 s2, s26  }
.Ltmp7:
0x13a: {  	_ = 	snop;
	(pc) =	sbr.rel @p0 .LBB2_1-.Ltmp7, $3  }
0x13b: {  	_ =	sdelay $0x1  }
0x13c: {  	[sflag:s1] =	ssyncset.done $0x0  }
0x13d: {  	[sflag:s1] =	ssyncadd.s32 $0xFFFFE000  }
0x13e: {  	_ =	sfence.sel $0x180000  }
0x13f: {  	[bflag:$0x0] =	sbarrier.arrive $0xFFFF  }
0x140: {  	_ =	strace $0x90000047  }
0x141: {  	s0 =	stileid.u32;
	[bflag:$0x2] =	sbarrier.arrive $0xFFFF  }
0x142: {  	p0 =	sne.s32 s0, $0x0;
	s0 =	rddreg [dreg:$0x4]  }
0x143: {  	s0 =	sadd.s32 @!p0 $0x100000, s0  }
0x144: {  	[sflag:s0] =	ssyncadd.tile.s32 @!p0 $0x1;
	_ =	shalt  }
.Lfunc_end2:
_tile_overlayer_lowered:
.L_overlay_start_2:
0x145: {  	(tag) =	ssettag $0x2  }
0x146: {  	s0 =	rddreg [dreg:$0x0];
	s2 =	stileid.u32  }
0x147: {  	s1 =	rddreg [dreg:$0x1];
	p0 =	sne.s32 s2, $0x0  }
0x148: {  	s3 =	rddreg [dreg:$0x2];
	[bflag:$0x3] =	sbarrier.arrive $0xFFFF;
	s2 =	simm.s32 @!p0 $0x1C05  }
0x149: {  	[timem:s3], [sflag:s2] =	dma.local @!p0 [hbm:s0], s1  }
0x14a: {  	s0 =	simm.s32 @!p0 $0x5  }
0x14b: {  	_ =	swait.ge @!p0 [sflag:s0], s1  }
0x14c: {  	s1 =	ssub.s32 @!p0 $0x0, s1;
	[sflag:s0] =	ssyncset.done @!p0 $0x0  }
0x14d: {  	[sflag:s0] =	ssyncadd.s32 @!p0 s1  }
0x14e: {  	[bflag:$0x3] =	sbarrier.arrive $0xFFFF  }
0x14f: {  	_ =	shalt  }

</sc_bundles>
